<compile_context>
chip_gen: v7x
topology: tpu7x:2x2x1
jax: 0.10.2.dev20260603
libtpu: 0.0.44.dev20260713+nightly
codegen_flags: <defaults>
</compile_context>

<pallas_src>
import dataclasses
import functools

import jax
import jax.numpy as jnp
from jax import lax
from jax.experimental import pallas as pl
from jax.experimental.pallas import tpu as pltpu
from jax.experimental.pallas import tpu_sc as plsc

N = 10000
D = 128
E = 320000
TEXT_DIM = 384
STRUCT_DIM = 36
TILES = 32
NSUB = 16
W = 128
KWIN = 160
KDEG = 80
EPAD = NSUB * KWIN * W
EDGT = KWIN * W
NPAD = 10112
NHALF = 5000
ACCR = 5120
BN = 1000
GRID = N // BN
SHIFT = 14
MASK = (1 << SHIFT) - 1



def _sc_degree_body(pk_hbm, part_hbm, idx_v, hist_v, sem):
    c = lax.axis_index("c")
    s = lax.axis_index("s")
    wid = c * 16 + s
    cp = pltpu.async_copy(pk_hbm.at[wid], idx_v, sem)

    @pl.loop(0, NPAD, step=16)
    def _(i):
        hist_v[pl.ds(i, 16)] = jnp.zeros((16,), jnp.float32)

    cp.wait()
    ones16 = jnp.ones((16,), jnp.float32)

    @pl.loop(0, KDEG)
    def _(j):
        @pl.loop(0, W, step=16)
        def _(k):
            dst16 = jnp.right_shift(idx_v[j, pl.ds(k, 16)], SHIFT)
            plsc.addupdate_scatter(hist_v, [dst16], ones16)

    pltpu.sync_copy(hist_v, part_hbm.at[pl.ds(wid * NPAD, NPAD)])


def _sc_scatter_body(g_hbm, pk_hbm, out_hbm,
                     srcf_v, dst2_v, buf, acc_sh, sem_g, sem_i):
    c = lax.axis_index("c")
    s = lax.axis_index("s")
    rbase = s * 320
    cp = pltpu.async_copy(pk_hbm.at[s], dst2_v, sem_i)

    zb = buf.at[0]

    @pl.loop(0, W)
    def _(i):
        @pl.loop(0, D, step=16)
        def _(j):
            zb[i, pl.ds(j, 16)] = jnp.zeros((16,), jnp.float32)

    @pl.loop(0, 3)
    def _(k):
        off = jnp.minimum(k * W, 320 - W)
        pltpu.sync_copy(zb, acc_sh.at[pl.ds(rbase + off, W)])

    hoff = c * NHALF
    trash = NHALF + s
    trashw16 = jnp.broadcast_to(jnp.left_shift(trash, SHIFT), (16,))

    @pl.loop(0, EDGT, step=16)
    def _(i):
        srcf_v[pl.ds(i, 16)] = trashw16

    cp.wait()

    def _compact(i, n):
        pk16 = dst2_v[i // (W // 16), pl.ds((i % (W // 16)) * 16, 16)]
        d = jnp.right_shift(pk16, SHIFT) - hoff
        ok = jnp.logical_and(d >= 0, d < NHALF)
        w2 = jnp.bitwise_or(jnp.bitwise_and(pk16, MASK),
                            jnp.left_shift(d, SHIFT))
        plsc.store_compressed(srcf_v.at[pl.ds(n, 16)], w2, mask=ok)
        return n + jnp.sum(ok.astype(jnp.int32))

    n = lax.fori_loop(0, EDGT // 16, _compact, 0)
    nw = (n + W - 1) // W

    @pl.loop(0, KWIN)
    def _(r):
        @pl.loop(0, W, step=16)
        def _(k):
            w16 = srcf_v[pl.ds(r * W + k, 16)]
            dst2_v[r, pl.ds(k, 16)] = jnp.right_shift(w16, SHIFT)
            srcf_v[pl.ds(r * W + k, 16)] = jnp.bitwise_and(w16, MASK)

    plsc.subcore_barrier()

    def _window(j, carry):
        pltpu.async_copy(g_hbm.at[srcf_v.at[pl.ds(j * W, W)]],
                         buf.at[0], sem_g).wait()
        pltpu.sync_copy(buf.at[0], acc_sh.at[dst2_v.at[j]], add=True)
        return carry

    lax.fori_loop(0, nw, _window, 0)

    plsc.subcore_barrier()
    pltpu.sync_copy(acc_sh.at[pl.ds(rbase, 320)],
                    out_hbm.at[c, pl.ds(rbase, 320)])


@functools.cache
def _sc_kernels():
    mesh = plsc.VectorSubcoreMesh(core_axis_name="c", subcore_axis_name="s",
                                  num_cores=2, num_subcores=16)
    cp = pltpu.CompilerParams()
    if "needs_layout_passes" in pltpu.CompilerParams.__dataclass_fields__:
        cp = dataclasses.replace(cp, needs_layout_passes=False)
    sc_degree = pl.kernel(
        _sc_degree_body,
        out_type=jax.ShapeDtypeStruct((TILES * NPAD,), jnp.float32),
        mesh=mesh,
        compiler_params=cp,
        scratch_types=[
            pltpu.VMEM((KDEG, W), jnp.int32),
            pltpu.VMEM((NPAD,), jnp.float32),
            pltpu.SemaphoreType.DMA,
        ],
    )
    sc_scatter = pl.kernel(
        _sc_scatter_body,
        out_type=jax.ShapeDtypeStruct((2, ACCR, D), jnp.float32),
        mesh=mesh,
        compiler_params=cp,
        scratch_types=[
            pltpu.VMEM((EDGT,), jnp.int32),
            pltpu.VMEM((KWIN, W), jnp.int32),
            pltpu.VMEM((2, W, D), jnp.float32),
            pltpu.VMEM_SHARED((ACCR, D), jnp.float32),
            pltpu.SemaphoreType.DMA,
            pltpu.SemaphoreType.DMA,
        ],
    )
    return sc_degree, sc_scatter



def _gelu(a):
    return 0.5 * a * (1.0 + lax.erf(a * (2.0 ** -0.5)))


def _tc_proj_body(text_ref, struct_ref, wt_ref, ws_ref, b_ref, wg_ref,
                  h0_ref, h_ref):
    a = (jnp.dot(text_ref[...], wt_ref[...], preferred_element_type=jnp.float32)
         + jnp.dot(struct_ref[...], ws_ref[...],
                   preferred_element_type=jnp.float32)
         + b_ref[...])
    h0 = _gelu(a)
    h0_ref[...] = h0
    h_ref[...] = jnp.dot(h0, wg_ref[...], preferred_element_type=jnp.float32)


def _tc_deg_body(p_ref, deg_ref):
    deg_ref[...] = jnp.sum(p_ref[...], axis=0)[:, None] + 1.0


def _tc_scale_body(h_ref, deg_ref, g_ref, dis_ref):
    dis = lax.rsqrt(deg_ref[...])
    dis_ref[...] = dis
    g_ref[...] = h_ref[...] * dis


def _tc_final_body(s_ref, g_ref, dis_ref, h0_ref, bg_ref, gam_ref, bet_ref,
                   o_ref):
    t = s_ref[0] + g_ref[...]
    og = dis_ref[...] * t + bg_ref[...]
    y = _gelu(og) + h0_ref[...]
    mu = jnp.mean(y, axis=-1, keepdims=True)
    dev = y - mu
    var = jnp.mean(dev * dev, axis=-1, keepdims=True)
    o_ref[...] = dev * lax.rsqrt(var + 1e-5) * gam_ref[...] + bet_ref[...]


_tc_proj = pl.pallas_call(
    _tc_proj_body,
    grid=(GRID,),
    in_specs=[
        pl.BlockSpec((BN, TEXT_DIM), lambda i: (i, 0)),
        pl.BlockSpec((BN, STRUCT_DIM), lambda i: (i, 0)),
        pl.BlockSpec((TEXT_DIM, D), lambda i: (0, 0)),
        pl.BlockSpec((STRUCT_DIM, D), lambda i: (0, 0)),
        pl.BlockSpec((1, D), lambda i: (0, 0)),
        pl.BlockSpec((D, D), lambda i: (0, 0)),
    ],
    out_specs=[
        pl.BlockSpec((BN, D), lambda i: (i, 0)),
        pl.BlockSpec((BN, D), lambda i: (i, 0)),
    ],
    out_shape=[
        jax.ShapeDtypeStruct((N, D), jnp.float32),
        jax.ShapeDtypeStruct((N, D), jnp.float32),
    ],
)

_tc_deg = pl.pallas_call(
    _tc_deg_body,
    in_specs=[pl.BlockSpec((TILES, NPAD), lambda: (0, 0))],
    out_specs=pl.BlockSpec((NPAD, 1), lambda: (0, 0)),
    out_shape=jax.ShapeDtypeStruct((NPAD, 1), jnp.float32),
)

_tc_scale = pl.pallas_call(
    _tc_scale_body,
    grid=(GRID,),
    in_specs=[
        pl.BlockSpec((BN, D), lambda i: (i, 0)),
        pl.BlockSpec((BN, 1), lambda i: (i, 0)),
    ],
    out_specs=[
        pl.BlockSpec((BN, D), lambda i: (i, 0)),
        pl.BlockSpec((BN, 1), lambda i: (i, 0)),
    ],
    out_shape=[
        jax.ShapeDtypeStruct((N, D), jnp.float32),
        jax.ShapeDtypeStruct((N, 1), jnp.float32),
    ],
)

_tc_final = pl.pallas_call(
    _tc_final_body,
    grid=(GRID,),
    in_specs=[
        pl.BlockSpec((1, BN, D), lambda i: (i // 5, i % 5, 0)),
        pl.BlockSpec((BN, D), lambda i: (i, 0)),
        pl.BlockSpec((BN, 1), lambda i: (i, 0)),
        pl.BlockSpec((BN, D), lambda i: (i, 0)),
        pl.BlockSpec((1, D), lambda i: (0, 0)),
        pl.BlockSpec((1, D), lambda i: (0, 0)),
        pl.BlockSpec((1, D), lambda i: (0, 0)),
    ],
    out_specs=pl.BlockSpec((BN, D), lambda i: (i, 0)),
    out_shape=jax.ShapeDtypeStruct((N, D), jnp.float32),
)


def kernel(text_emb, struct_feat, edge_index, W_in, b_in, W_gcn, b_gcn,
           gamma, beta):
    sc_degree, sc_scatter = _sc_kernels()
    src = edge_index[0].astype(jnp.int32)
    dst = edge_index[1].astype(jnp.int32)
    packed = jnp.bitwise_or(src, jnp.left_shift(dst, SHIFT))
    pk3 = jnp.concatenate(
        [packed, jnp.full((EPAD - E,), N << SHIFT, jnp.int32)]
    ).reshape(NSUB, KWIN, W)

    partials = sc_degree(pk3.reshape(TILES, KDEG, W))
    h0, h = _tc_proj(text_emb, struct_feat,
                     W_in[:, :TEXT_DIM].T, W_in[:, TEXT_DIM:].T,
                     b_in.reshape(1, D), W_gcn.T)
    deg = _tc_deg(partials.reshape(TILES, NPAD))
    g, dis = _tc_scale(h, deg)
    s_partial = sc_scatter(g, pk3)
    return _tc_final(s_partial, g, dis, h0, b_gcn.reshape(1, D),
                     gamma.reshape(1, D), beta.reshape(1, D))

# --- scband reference (transcript-rebuilt; emitter-appended) ---
"""Pipeline reference for scband-graph-domencoder-16724602651009 (READ-ONLY COPY).

The authoritative reference and input builder live on the scoring server;
editing this copy changes nothing except your own understanding.
"""

import jax, jax.numpy as jnp
import numpy as np

N_NODES = 10000
N_EDGES = 320000
TEXT_DIM = 384
STRUCT_DIM = 36
HIDDEN_DIM = 128


def setup_inputs(seed: int = 0) -> dict:
    key = jax.random.key(seed)
    ks = jax.random.split(key, 10)
    text_emb = jax.random.normal(ks[0], (N_NODES, TEXT_DIM), dtype=jnp.float32)
    struct_feat = jax.random.uniform(ks[1], (N_NODES, STRUCT_DIM), dtype=jnp.float32)
    edge_index = jax.random.randint(ks[2], (2, N_EDGES), 0, N_NODES, dtype=jnp.int64 if jax.config.jax_enable_x64 else jnp.int32).astype(jnp.int32)
    in_dim = TEXT_DIM + STRUCT_DIM
    W_in = jax.random.normal(ks[3], (HIDDEN_DIM, in_dim), dtype=jnp.float32) * (1.0 / np.sqrt(in_dim))
    b_in = jnp.zeros((HIDDEN_DIM,), dtype=jnp.float32)
    W_gcn = jax.random.normal(ks[4], (HIDDEN_DIM, HIDDEN_DIM), dtype=jnp.float32) * (1.0 / np.sqrt(HIDDEN_DIM))
    b_gcn = jnp.zeros((HIDDEN_DIM,), dtype=jnp.float32)
    gamma = jnp.ones((HIDDEN_DIM,), dtype=jnp.float32)
    beta = jnp.zeros((HIDDEN_DIM,), dtype=jnp.float32)
    return {"text_emb": text_emb, "struct_feat": struct_feat, "edge_index": edge_index,
            "W_in": W_in, "b_in": b_in, "W_gcn": W_gcn, "b_gcn": b_gcn,
            "gamma": gamma, "beta": beta}


def _gcn_conv(x, edge_index, W, b):
    # PyG GCNConv with add_self_loops=True, normalize=True
    N = x.shape[0]
    loop = jnp.arange(N, dtype=edge_index.dtype)
    src = jnp.concatenate([edge_index[0], loop])
    dst = jnp.concatenate([edge_index[1], loop])
    ew = jnp.ones(src.shape[0], dtype=x.dtype)
    deg = jnp.zeros((N,), dtype=x.dtype).at[dst].add(ew)
    deg_inv_sqrt = jnp.where(deg > 0, deg ** -0.5, 0.0)
    norm = deg_inv_sqrt[src] * deg_inv_sqrt[dst]
    h = x @ W.T                       # linear transform first
    msg = h[src] * norm[:, None]      # gather + scale
    out = jnp.zeros((N, h.shape[1]), dtype=x.dtype).at[dst].add(msg)  # scatter-add
    return out + b


def _layer_norm(x, gamma, beta, eps=1e-5):
    mu = jnp.mean(x, axis=-1, keepdims=True)
    var = jnp.mean((x - mu) ** 2, axis=-1, keepdims=True)
    return (x - mu) / jnp.sqrt(var + eps) * gamma + beta


def reference(text_emb, struct_feat, edge_index, W_in, b_in, W_gcn, b_gcn, gamma, beta):
    x = jnp.concatenate([text_emb, struct_feat], axis=-1)
    x = jax.nn.gelu(x @ W_in.T + b_in, approximate=False)  # input_proj (dropout=identity at eval)
    x_res = x
    x = _gcn_conv(x, edge_index, W_gcn, b_gcn)
    x = jax.nn.gelu(x, approximate=False)
    x = x + x_res
    x = _layer_norm(x, gamma, beta)
    return x

if __name__ == "__main__":
    import jax
    _d = setup_inputs()
    print(jax.jit(kernel)(*tuple(_d.values())))

</pallas_src>

<mosaic_0001>
#map = affine_map<(d0, d1) -> (0, 0, 0)>
#map1 = affine_map<(d0, d1) -> (0)>
module attributes {stable_mosaic.version = 14 : i64} {
  func.func @_sc_degree_body(%arg0: i32, %arg1: i32, %arg2: memref<32x80x128xi32, #tpu.memory_space<hbm>>, %arg3: memref<323584xf32, #tpu.memory_space<hbm>>, %arg4: memref<80x128xi32, #tpu.memory_space<vmem>>, %arg5: memref<10112xf32, #tpu.memory_space<vmem>>, %arg6: memref<!tpu.dma_semaphore, #tpu.memory_space<semaphore_mem>>) attributes {dimension_semantics = [#tpu.dimension_semantics<core_parallel>, #tpu.dimension_semantics<subcore_parallel>], iteration_bounds = array<i64: 2, 16>, scalar_prefetch = 0 : i64, scratch_operands = 3 : i64, tpu.core_type = #tpu.core_type<sc_vector_subcore>, window_params = [{transform_indices = #map}, {transform_indices = #map1}]} {
    %mul3A = arith.constant 16 : i32
    %mul3A_0 = arith.muli %arg0, %mul3A : i32
    %add3A = arith.addi %mul3A_0, %arg1 : i32
    %dma_start3A = arith.constant 0 : i32
    %dma_start3A_1 = arith.constant 0 : i32
    %dma_start3A_2 = tpu.memref_slice %arg2[%add3A, %dma_start3A, %dma_start3A_1] : memref<32x80x128xi32, #tpu.memory_space<hbm>> -> memref<1x80x128xi32, #tpu.memory_space<hbm>>
    %dma_start3A_3 = tpu.memref_squeeze %dma_start3A_2 : memref<1x80x128xi32, #tpu.memory_space<hbm>> -> memref<80x128xi32, #tpu.memory_space<hbm>>
    %dma_start3A_4 = arith.constant 0 : i32
    %dma_start3A_5 = arith.constant 0 : i32
    %dma_start3A_6 = tpu.memref_slice %arg2[%add3A, %dma_start3A_4, %dma_start3A_5] : memref<32x80x128xi32, #tpu.memory_space<hbm>> -> memref<1x80x128xi32, #tpu.memory_space<hbm>>
    %dma_start3A_7 = tpu.memref_squeeze %dma_start3A_6 : memref<1x80x128xi32, #tpu.memory_space<hbm>> -> memref<80x128xi32, #tpu.memory_space<hbm>>
    tpu.enqueue_dma source(%dma_start3A_7 : memref<80x128xi32, #tpu.memory_space<hbm>>) target(%arg4 : memref<80x128xi32, #tpu.memory_space<vmem>>) target_semaphore(%arg6 : memref<!tpu.dma_semaphore, #tpu.memory_space<semaphore_mem>>)
    %scan3A = arith.constant 0 : i32
    %scan3A_8 = arith.constant 632 : i32
    %scan3A_9 = arith.addi %scan3A, %scan3A_8 : i32
    %scan3A_10 = arith.constant 1 : i32
    scf.for %scan3A_27 = %scan3A to %scan3A_9 step %scan3A_10  : i32 {
      %mul3A_28 = arith.constant 16 : i32
      %mul3A_29 = arith.muli %scan3A_27, %mul3A_28 : i32
      %add3A_30 = arith.constant 0 : i32
      %add3A_31 = arith.addi %add3A_30, %mul3A_29 : i32
      %broadcast_in_dim3A_32 = arith.constant 0.000000e+00 : f32
      %broadcast_in_dim3A_33 = vector.broadcast %broadcast_in_dim3A_32 : f32 to vector<16xf32>
      %swap3A = arith.index_cast %add3A_31 : i32 to index
      %swap3A_34 = tpu.vector_load %arg5[%swap3A] {strides = array<i32>} : memref<10112xf32, #tpu.memory_space<vmem>>, vector<16xf32>,
      tpu.vector_store %arg5[%swap3A], %broadcast_in_dim3A_33 {strides = array<i32>} : memref<10112xf32, #tpu.memory_space<vmem>>, vector<16xf32>,
    }
    %scan3A_11 = arith.constant 632 : i32
    %dma_wait3A = arith.constant 0 : i32
    %dma_wait3A_12 = arith.constant 0 : i32
    %dma_wait3A_13 = tpu.memref_slice %arg2[%add3A, %dma_wait3A, %dma_wait3A_12] : memref<32x80x128xi32, #tpu.memory_space<hbm>> -> memref<1x80x128xi32, #tpu.memory_space<hbm>>
    %dma_wait3A_14 = tpu.memref_squeeze %dma_wait3A_13 : memref<1x80x128xi32, #tpu.memory_space<hbm>> -> memref<80x128xi32, #tpu.memory_space<hbm>>
    %dma_wait3A_15 = arith.constant 0 : i32
    %dma_wait3A_16 = arith.constant 0 : i32
    %dma_wait3A_17 = tpu.memref_slice %arg2[%add3A, %dma_wait3A_15, %dma_wait3A_16] : memref<32x80x128xi32, #tpu.memory_space<hbm>> -> memref<1x80x128xi32, #tpu.memory_space<hbm>>
    %dma_wait3A_18 = tpu.memref_squeeze %dma_wait3A_17 : memref<1x80x128xi32, #tpu.memory_space<hbm>> -> memref<80x128xi32, #tpu.memory_space<hbm>>
    tpu.wait_dma2 semaphore(%arg6 : memref<!tpu.dma_semaphore, #tpu.memory_space<semaphore_mem>>) src(%dma_wait3A_18 : memref<80x128xi32, #tpu.memory_space<hbm>>) dst(%arg4 : memref<80x128xi32, #tpu.memory_space<vmem>>)
    %broadcast_in_dim3A = arith.constant 1.000000e+00 : f32
    %broadcast_in_dim3A_19 = vector.broadcast %broadcast_in_dim3A : f32 to vector<16xf32>
    %scan3A_20 = arith.constant 0 : i32
    %scan3A_21 = arith.constant 80 : i32
    %scan3A_22 = arith.addi %scan3A_20, %scan3A_21 : i32
    %scan3A_23 = arith.constant 1 : i32
    scf.for %scan3A_27 = %scan3A_20 to %scan3A_22 step %scan3A_23  : i32 {
      %mul3A_28 = arith.constant 1 : i32
      %mul3A_29 = arith.muli %scan3A_27, %mul3A_28 : i32
      %add3A_30 = arith.constant 0 : i32
      %add3A_31 = arith.addi %add3A_30, %mul3A_29 : i32
      %scan3A_32 = arith.constant 0 : i32
      %scan3A_33 = arith.constant 8 : i32
      %scan3A_34 = arith.addi %scan3A_32, %scan3A_33 : i32
      %scan3A_35 = arith.constant 1 : i32
      scf.for %scan3A_37 = %scan3A_32 to %scan3A_34 step %scan3A_35  : i32 {
        %mul3A_38 = arith.constant 16 : i32
        %mul3A_39 = arith.muli %scan3A_37, %mul3A_38 : i32
        %add3A_40 = arith.constant 0 : i32
        %add3A_41 = arith.addi %add3A_40, %mul3A_39 : i32
        %get3A = arith.index_cast %add3A_31 : i32 to index
        %get3A_42 = arith.index_cast %add3A_41 : i32 to index
        %get3A_43 = tpu.vector_load %arg4[%get3A, %get3A_42] {strides = array<i32>} : memref<80x128xi32, #tpu.memory_space<vmem>>, vector<16xi32>,
        %shift_right_arithmetic3A = arith.constant 14 : i32
        %shift_right_arithmetic3A_44 = vector.broadcast %shift_right_arithmetic3A : i32 to vector<16xi32>
        %shift_right_arithmetic3A_45 = arith.shrsi %get3A_43, %shift_right_arithmetic3A_44 : vector<16xi32>
        tpu.vector_store_idx %arg5[%shift_right_arithmetic3A_45], %broadcast_in_dim3A_19 {add = true} : memref<10112xf32, #tpu.memory_space<vmem>>[vector<16xi32>], vector<16xf32>,
      }
      %scan3A_36 = arith.constant 8 : i32
    }
    %scan3A_24 = arith.constant 80 : i32
    %mul3A_25 = arith.constant 10112 : i32
    %mul3A_26 = arith.muli %add3A, %mul3A_25 : i32
    "tpu.region"() ({
      %run_scoped3A = tpu.sem_alloc : memref<!tpu.dma_semaphore, #tpu.memory_space<semaphore_mem>>
      %dma_start3A_27 = tpu.memref_slice %arg3[%mul3A_26] : memref<323584xf32, #tpu.memory_space<hbm>> -> memref<10112xf32, #tpu.memory_space<hbm>>
      %dma_start3A_28 = tpu.memref_slice %arg3[%mul3A_26] : memref<323584xf32, #tpu.memory_space<hbm>> -> memref<10112xf32, #tpu.memory_space<hbm>>
      tpu.enqueue_dma source(%arg5 : memref<10112xf32, #tpu.memory_space<vmem>>) target(%dma_start3A_28 : memref<10112xf32, #tpu.memory_space<hbm>>) target_semaphore(%run_scoped3A : memref<!tpu.dma_semaphore, #tpu.memory_space<semaphore_mem>>)
      %dma_wait3A_29 = tpu.memref_slice %arg3[%mul3A_26] : memref<323584xf32, #tpu.memory_space<hbm>> -> memref<10112xf32, #tpu.memory_space<hbm>>
      %dma_wait3A_30 = tpu.memref_slice %arg3[%mul3A_26] : memref<323584xf32, #tpu.memory_space<hbm>> -> memref<10112xf32, #tpu.memory_space<hbm>>
      tpu.wait_dma2 semaphore(%run_scoped3A : memref<!tpu.dma_semaphore, #tpu.memory_space<semaphore_mem>>) src(%arg5 : memref<10112xf32, #tpu.memory_space<vmem>>) dst(%dma_wait3A_30 : memref<10112xf32, #tpu.memory_space<hbm>>)
      tpu.yield
    }) : () -> ()
    return
  }
}

#map = affine_map<(d0, d1) -> (0, 0)>
#map1 = affine_map<(d0, d1) -> (0, 0, 0)>
module attributes {stable_mosaic.version = 14 : i64} {
  func.func @_sc_scatter_body(%arg0: i32, %arg1: i32, %arg2: memref<10000x128xf32, #tpu.memory_space<hbm>>, %arg3: memref<16x160x128xi32, #tpu.memory_space<hbm>>, %arg4: memref<2x5120x128xf32, #tpu.memory_space<hbm>>, %arg5: memref<20480xi32, #tpu.memory_space<vmem>>, %arg6: memref<160x128xi32, #tpu.memory_space<vmem>>, %arg7: memref<2x128x128xf32, #tpu.memory_space<vmem>>, %arg8: memref<5120x128xf32, #tpu.memory_space<vmem_shared>>, %arg9: memref<!tpu.dma_semaphore, #tpu.memory_space<semaphore_mem>>, %arg10: memref<!tpu.dma_semaphore, #tpu.memory_space<semaphore_mem>>) attributes {dimension_semantics = [#tpu.dimension_semantics<core_parallel>, #tpu.dimension_semantics<subcore_parallel>], iteration_bounds = array<i64: 2, 16>, scalar_prefetch = 0 : i64, scratch_operands = 6 : i64, tpu.core_type = #tpu.core_type<sc_vector_subcore>, window_params = [{transform_indices = #map}, {transform_indices = #map1}, {transform_indices = #map1}]} {
    %mul3A = arith.constant 320 : i32
    %mul3A_0 = arith.muli %arg1, %mul3A : i32
    %dma_start3A = arith.constant 0 : i32
    %dma_start3A_1 = arith.constant 0 : i32
    %dma_start3A_2 = tpu.memref_slice %arg3[%arg1, %dma_start3A, %dma_start3A_1] : memref<16x160x128xi32, #tpu.memory_space<hbm>> -> memref<1x160x128xi32, #tpu.memory_space<hbm>>
    %dma_start3A_3 = tpu.memref_squeeze %dma_start3A_2 : memref<1x160x128xi32, #tpu.memory_space<hbm>> -> memref<160x128xi32, #tpu.memory_space<hbm>>
    %dma_start3A_4 = arith.constant 0 : i32
    %dma_start3A_5 = arith.constant 0 : i32
    %dma_start3A_6 = tpu.memref_slice %arg3[%arg1, %dma_start3A_4, %dma_start3A_5] : memref<16x160x128xi32, #tpu.memory_space<hbm>> -> memref<1x160x128xi32, #tpu.memory_space<hbm>>
    %dma_start3A_7 = tpu.memref_squeeze %dma_start3A_6 : memref<1x160x128xi32, #tpu.memory_space<hbm>> -> memref<160x128xi32, #tpu.memory_space<hbm>>
    tpu.enqueue_dma source(%dma_start3A_7 : memref<160x128xi32, #tpu.memory_space<hbm>>) target(%arg6 : memref<160x128xi32, #tpu.memory_space<vmem>>) target_semaphore(%arg10 : memref<!tpu.dma_semaphore, #tpu.memory_space<semaphore_mem>>)
    %scan3A = arith.constant 0 : i32
    %scan3A_8 = arith.constant 0 : i32
    %scan3A_9 = arith.constant 128 : i32
    %scan3A_10 = arith.addi %scan3A_8, %scan3A_9 : i32
    %scan3A_11 = arith.constant 1 : i32
    scf.for %scan3A_77 = %scan3A_8 to %scan3A_10 step %scan3A_11  : i32 {
      %mul3A_78 = arith.constant 1 : i32
      %mul3A_79 = arith.muli %scan3A_77, %mul3A_78 : i32
      %add3A_80 = arith.constant 0 : i32
      %add3A_81 = arith.addi %add3A_80, %mul3A_79 : i32
      %scan3A_82 = arith.constant 0 : i32
      %scan3A_83 = arith.constant 8 : i32
      %scan3A_84 = arith.addi %scan3A_82, %scan3A_83 : i32
      %scan3A_85 = arith.constant 1 : i32
      scf.for %scan3A_87 = %scan3A_82 to %scan3A_84 step %scan3A_85  : i32 {
        %mul3A_88 = arith.constant 16 : i32
        %mul3A_89 = arith.muli %scan3A_87, %mul3A_88 : i32
        %add3A_90 = arith.constant 0 : i32
        %add3A_91 = arith.addi %add3A_90, %mul3A_89 : i32
        %broadcast_in_dim3A_92 = arith.constant 0.000000e+00 : f32
        %broadcast_in_dim3A_93 = vector.broadcast %broadcast_in_dim3A_92 : f32 to vector<16xf32>
        %swap3A = arith.constant 0 : i32
        %swap3A_94 = arith.constant 0 : i32
        %swap3A_95 = tpu.memref_slice %arg7[%scan3A, %swap3A, %swap3A_94] : memref<2x128x128xf32, #tpu.memory_space<vmem>> -> memref<1x128x128xf32, #tpu.memory_space<vmem>>
        %swap3A_96 = tpu.memref_squeeze %swap3A_95 : memref<1x128x128xf32, #tpu.memory_space<vmem>> -> memref<128x128xf32, #tpu.memory_space<vmem>>
        %swap3A_97 = arith.index_cast %add3A_81 : i32 to index
        %swap3A_98 = arith.index_cast %add3A_91 : i32 to index
        %swap3A_99 = tpu.vector_load %swap3A_96[%swap3A_97, %swap3A_98] {strides = array<i32>} : memref<128x128xf32, #tpu.memory_space<vmem>>, vector<16xf32>,
        tpu.vector_store %swap3A_96[%swap3A_97, %swap3A_98], %broadcast_in_dim3A_93 {strides = array<i32>} : memref<128x128xf32, #tpu.memory_space<vmem>>, vector<16xf32>,
      }
      %scan3A_86 = arith.constant 8 : i32
    }
    %scan3A_12 = arith.constant 128 : i32
    %scan3A_13 = arith.constant 0 : i32
    %scan3A_14 = arith.constant 0 : i32
    %scan3A_15 = arith.constant 3 : i32
    %scan3A_16 = arith.addi %scan3A_14, %scan3A_15 : i32
    %scan3A_17 = arith.constant 1 : i32
    scf.for %scan3A_77 = %scan3A_14 to %scan3A_16 step %scan3A_17  : i32 {
      %mul3A_78 = arith.constant 1 : i32
      %mul3A_79 = arith.muli %scan3A_77, %mul3A_78 : i32
      %add3A_80 = arith.constant 0 : i32
      %add3A_81 = arith.addi %add3A_80, %mul3A_79 : i32
      %mul3A_82 = arith.constant 128 : i32
      %mul3A_83 = arith.muli %add3A_81, %mul3A_82 : i32
      %min3A = arith.constant 192 : i32
      %min3A_84 = arith.minsi %mul3A_83, %min3A : i32
      %add3A_85 = arith.addi %mul3A_0, %min3A_84 : i32
      "tpu.region"() ({
        %run_scoped3A = tpu.sem_alloc : memref<!tpu.dma_semaphore, #tpu.memory_space<semaphore_mem>>
        %dma_start3A_86 = arith.constant 0 : i32
        %dma_start3A_87 = arith.constant 0 : i32
        %dma_start3A_88 = tpu.memref_slice %arg7[%scan3A_13, %dma_start3A_86, %dma_start3A_87] : memref<2x128x128xf32, #tpu.memory_space<vmem>> -> memref<1x128x128xf32, #tpu.memory_space<vmem>>
        %dma_start3A_89 = tpu.memref_squeeze %dma_start3A_88 : memref<1x128x128xf32, #tpu.memory_space<vmem>> -> memref<128x128xf32, #tpu.memory_space<vmem>>
        %dma_start3A_90 = arith.constant 0 : i32
        %dma_start3A_91 = tpu.memref_slice %arg8[%add3A_85, %dma_start3A_90] : memref<5120x128xf32, #tpu.memory_space<vmem_shared>> -> memref<128x128xf32, #tpu.memory_space<vmem_shared>>
        %dma_start3A_92 = arith.constant 0 : i32
        %dma_start3A_93 = tpu.memref_slice %arg8[%add3A_85, %dma_start3A_92] : memref<5120x128xf32, #tpu.memory_space<vmem_shared>> -> memref<128x128xf32, #tpu.memory_space<vmem_shared>>
        %dma_start3A_94 = arith.constant 0 : i32
        %dma_start3A_95 = arith.constant 0 : i32
        %dma_start3A_96 = tpu.memref_slice %arg7[%scan3A_13, %dma_start3A_94, %dma_start3A_95] : memref<2x128x128xf32, #tpu.memory_space<vmem>> -> memref<1x128x128xf32, #tpu.memory_space<vmem>>
        %dma_start3A_97 = tpu.memref_squeeze %dma_start3A_96 : memref<1x128x128xf32, #tpu.memory_space<vmem>> -> memref<128x128xf32, #tpu.memory_space<vmem>>
        tpu.enqueue_dma source(%dma_start3A_97 : memref<128x128xf32, #tpu.memory_space<vmem>>) target(%dma_start3A_93 : memref<128x128xf32, #tpu.memory_space<vmem_shared>>) target_semaphore(%run_scoped3A : memref<!tpu.dma_semaphore, #tpu.memory_space<semaphore_mem>>)
        %dma_wait3A_98 = arith.constant 0 : i32
        %dma_wait3A_99 = arith.constant 0 : i32
        %dma_wait3A_100 = tpu.memref_slice %arg7[%scan3A_13, %dma_wait3A_98, %dma_wait3A_99] : memref<2x128x128xf32, #tpu.memory_space<vmem>> -> memref<1x128x128xf32, #tpu.memory_space<vmem>>
        %dma_wait3A_101 = tpu.memref_squeeze %dma_wait3A_100 : memref<1x128x128xf32, #tpu.memory_space<vmem>> -> memref<128x128xf32, #tpu.memory_space<vmem>>
        %dma_wait3A_102 = arith.constant 0 : i32
        %dma_wait3A_103 = tpu.memref_slice %arg8[%add3A_85, %dma_wait3A_102] : memref<5120x128xf32, #tpu.memory_space<vmem_shared>> -> memref<128x128xf32, #tpu.memory_space<vmem_shared>>
        %dma_wait3A_104 = arith.constant 0 : i32
        %dma_wait3A_105 = tpu.memref_slice %arg8[%add3A_85, %dma_wait3A_104] : memref<5120x128xf32, #tpu.memory_space<vmem_shared>> -> memref<128x128xf32, #tpu.memory_space<vmem_shared>>
        %dma_wait3A_106 = arith.constant 0 : i32
        %dma_wait3A_107 = arith.constant 0 : i32
        %dma_wait3A_108 = tpu.memref_slice %arg7[%scan3A_13, %dma_wait3A_106, %dma_wait3A_107] : memref<2x128x128xf32, #tpu.memory_space<vmem>> -> memref<1x128x128xf32, #tpu.memory_space<vmem>>
        %dma_wait3A_109 = tpu.memref_squeeze %dma_wait3A_108 : memref<1x128x128xf32, #tpu.memory_space<vmem>> -> memref<128x128xf32, #tpu.memory_space<vmem>>
        tpu.wait_dma2 semaphore(%run_scoped3A : memref<!tpu.dma_semaphore, #tpu.memory_space<semaphore_mem>>) src(%dma_wait3A_109 : memref<128x128xf32, #tpu.memory_space<vmem>>) dst(%dma_wait3A_105 : memref<128x128xf32, #tpu.memory_space<vmem_shared>>)
        tpu.yield
      }) : () -> ()
    }
    %scan3A_18 = arith.constant 3 : i32
    %mul3A_19 = arith.constant 5000 : i32
    %mul3A_20 = arith.muli %arg0, %mul3A_19 : i32
    %add3A = arith.constant 5000 : i32
    %add3A_21 = arith.addi %add3A, %arg1 : i32
    %shift_left3A = arith.constant 14 : i32
    %shift_left3A_22 = arith.shli %add3A_21, %shift_left3A : i32
    %broadcast_in_dim3A = vector.broadcast %shift_left3A_22 : i32 to vector<16xi32>
    %scan3A_23 = arith.constant 0 : i32
    %scan3A_24 = arith.constant 1280 : i32
    %scan3A_25 = arith.addi %scan3A_23, %scan3A_24 : i32
    %scan3A_26 = arith.constant 1 : i32
    scf.for %scan3A_77 = %scan3A_23 to %scan3A_25 step %scan3A_26  : i32 {
      %mul3A_78 = arith.constant 16 : i32
      %mul3A_79 = arith.muli %scan3A_77, %mul3A_78 : i32
      %add3A_80 = arith.constant 0 : i32
      %add3A_81 = arith.addi %add3A_80, %mul3A_79 : i32
      %swap3A = arith.index_cast %add3A_81 : i32 to index
      %swap3A_82 = tpu.vector_load %arg5[%swap3A] {strides = array<i32>} : memref<20480xi32, #tpu.memory_space<vmem>>, vector<16xi32>,
      tpu.vector_store %arg5[%swap3A], %broadcast_in_dim3A {strides = array<i32>} : memref<20480xi32, #tpu.memory_space<vmem>>, vector<16xi32>,
    }
    %scan3A_27 = arith.constant 1280 : i32
    %dma_wait3A = arith.constant 0 : i32
    %dma_wait3A_28 = arith.constant 0 : i32
    %dma_wait3A_29 = tpu.memref_slice %arg3[%arg1, %dma_wait3A, %dma_wait3A_28] : memref<16x160x128xi32, #tpu.memory_space<hbm>> -> memref<1x160x128xi32, #tpu.memory_space<hbm>>
    %dma_wait3A_30 = tpu.memref_squeeze %dma_wait3A_29 : memref<1x160x128xi32, #tpu.memory_space<hbm>> -> memref<160x128xi32, #tpu.memory_space<hbm>>
    %dma_wait3A_31 = arith.constant 0 : i32
    %dma_wait3A_32 = arith.constant 0 : i32
    %dma_wait3A_33 = tpu.memref_slice %arg3[%arg1, %dma_wait3A_31, %dma_wait3A_32] : memref<16x160x128xi32, #tpu.memory_space<hbm>> -> memref<1x160x128xi32, #tpu.memory_space<hbm>>
    %dma_wait3A_34 = tpu.memref_squeeze %dma_wait3A_33 : memref<1x160x128xi32, #tpu.memory_space<hbm>> -> memref<160x128xi32, #tpu.memory_space<hbm>>
    tpu.wait_dma2 semaphore(%arg10 : memref<!tpu.dma_semaphore, #tpu.memory_space<semaphore_mem>>) src(%dma_wait3A_34 : memref<160x128xi32, #tpu.memory_space<hbm>>) dst(%arg6 : memref<160x128xi32, #tpu.memory_space<vmem>>)
    %scan3A_35 = arith.constant 0 : i32
    %scan3A_36 = arith.constant 0 : i32
    %scan3A_37 = arith.constant 1280 : i32
    %scan3A_38 = arith.addi %scan3A_36, %scan3A_37 : i32
    %scan3A_39 = arith.constant 1 : i32
    %scan3A_40 = scf.for %scan3A_77 = %scan3A_36 to %scan3A_38 step %scan3A_39 iter_args(%scan3A_78 = %scan3A_35) -> (i32)  : i32 {
      %jit3A_79 = arith.constant 8 : i32
      %div3A_80 = arith.divsi %scan3A_77, %jit3A_79 : i32
      %sign3A_81 = arith.constant 0 : i32
      %sign3A_82 = arith.cmpi sgt, %scan3A_77, %sign3A_81 : i32
      %sign3A_83 = arith.extui %sign3A_82 : i1 to i32
      %sign3A_84 = arith.constant 0 : i32
      %sign3A_85 = arith.cmpi slt, %scan3A_77, %sign3A_84 : i32
      %sign3A_86 = arith.extui %sign3A_85 : i1 to i32
      %sign3A_87 = arith.subi %sign3A_83, %sign3A_86 : i32
      %sign3A_88 = arith.constant 0 : i32
      %sign3A_89 = arith.cmpi sgt, %jit3A_79, %sign3A_88 : i32
      %sign3A_90 = arith.extui %sign3A_89 : i1 to i32
      %sign3A_91 = arith.constant 0 : i32
      %sign3A_92 = arith.cmpi slt, %jit3A_79, %sign3A_91 : i32
      %sign3A_93 = arith.extui %sign3A_92 : i1 to i32
      %sign3A_94 = arith.subi %sign3A_90, %sign3A_93 : i32
      %ne3A_95 = arith.cmpi ne, %sign3A_87, %sign3A_94 : i32
      %rem3A_96 = arith.remsi %scan3A_77, %jit3A_79 : i32
      %ne3A_97 = arith.constant 0 : i32
      %ne3A_98 = arith.cmpi ne, %rem3A_96, %ne3A_97 : i32
      %and3A_99 = arith.andi %ne3A_95, %ne3A_98 : i1
      %sub3A_100 = arith.constant 1 : i32
      %sub3A_101 = arith.subi %div3A_80, %sub3A_100 : i32
      %select_n3A_102 = arith.select %and3A_99, %sub3A_101, %div3A_80 : i32
      %jit3A_103 = arith.constant 8 : i32
      %eq3A = arith.constant 0 : i32
      %eq3A_104 = arith.cmpi eq, %jit3A_103, %eq3A : i32
      %jit3A_105 = arith.constant 1 : i32
      %select_n3A_106 = arith.select %eq3A_104, %jit3A_105, %jit3A_103 : i32
      %rem3A_107 = arith.remsi %scan3A_77, %select_n3A_106 : i32
      %ne3A_108 = arith.constant 0 : i32
      %ne3A_109 = arith.cmpi ne, %rem3A_107, %ne3A_108 : i32
      %lt3A = arith.constant 0 : i32
      %lt3A_110 = arith.cmpi slt, %rem3A_107, %lt3A : i32
      %lt3A_111 = arith.constant 0 : i32
      %lt3A_112 = arith.cmpi slt, %select_n3A_106, %lt3A_111 : i32
      %ne3A_113 = arith.xori %lt3A_110, %lt3A_112 : i1
      %and3A_114 = arith.andi %ne3A_113, %ne3A_109 : i1
      %add3A_115 = arith.addi %rem3A_107, %select_n3A_106 : i32
      %select_n3A_116 = arith.select %and3A_114, %add3A_115, %rem3A_107 : i32
      %mul3A_117 = arith.constant 16 : i32
      %mul3A_118 = arith.muli %select_n3A_116, %mul3A_117 : i32
      %get3A = arith.index_cast %select_n3A_102 : i32 to index
      %get3A_119 = arith.index_cast %mul3A_118 : i32 to index
      %get3A_120 = tpu.vector_load %arg6[%get3A, %get3A_119] {strides = array<i32>} : memref<160x128xi32, #tpu.memory_space<vmem>>, vector<16xi32>,
      %shift_right_arithmetic3A = arith.constant 14 : i32
      %shift_right_arithmetic3A_121 = vector.broadcast %shift_right_arithmetic3A : i32 to vector<16xi32>
      %shift_right_arithmetic3A_122 = arith.shrsi %get3A_120, %shift_right_arithmetic3A_121 : vector<16xi32>
      %sub3A_123 = vector.broadcast %mul3A_20 : i32 to vector<16xi32>
      %sub3A_124 = arith.subi %shift_right_arithmetic3A_122, %sub3A_123 : vector<16xi32>
      %ge3A = arith.constant 0 : i32
      %ge3A_125 = vector.broadcast %ge3A : i32 to vector<16xi32>
      %ge3A_126 = arith.cmpi sge, %sub3A_124, %ge3A_125 : vector<16xi32>
      %lt3A_127 = arith.constant 5000 : i32
      %lt3A_128 = vector.broadcast %lt3A_127 : i32 to vector<16xi32>
      %lt3A_129 = arith.cmpi slt, %sub3A_124, %lt3A_128 : vector<16xi32>
      %and3A_130 = arith.andi %ge3A_126, %lt3A_129 : vector<16xi1>
      %and3A_131 = arith.constant 16383 : i32
      %and3A_132 = vector.broadcast %and3A_131 : i32 to vector<16xi32>
      %and3A_133 = arith.andi %get3A_120, %and3A_132 : vector<16xi32>
      %shift_left3A_134 = arith.constant 14 : i32
      %shift_left3A_135 = vector.broadcast %shift_left3A_134 : i32 to vector<16xi32>
      %shift_left3A_136 = arith.shli %sub3A_124, %shift_left3A_135 : vector<16xi32>
      %or3A = arith.ori %and3A_133, %shift_left3A_136 : vector<16xi32>
      %swap3A = arith.index_cast %scan3A_78 : i32 to index
      %swap3A_137 = tpu.vector_load %arg5[%swap3A] masked %and3A_130 {strides = array<i32>} : memref<20480xi32, #tpu.memory_space<vmem>>, vector<16xi32>, vector<16xi1>
      tpu.vector_store %arg5[%swap3A], %or3A masked %and3A_130 {strides = array<i32>} : memref<20480xi32, #tpu.memory_space<vmem>>, vector<16xi32>, vector<16xi1>
      %convert_element_type3A = arith.extui %and3A_130 : vector<16xi1> to vector<16xi32>
      %reduce_sum3A = arith.constant true
      %reduce_sum3A_138 = vector.broadcast %reduce_sum3A : i1 to vector<16xi1>
      %reduce_sum3A_139 = tpu.scan <sum>, %convert_element_type3A masked %reduce_sum3A_138 : vector<16xi32>, vector<16xi1> -> vector<16xi32>
      %reduce_sum3A_140 = vector.extract %reduce_sum3A_139[15] : i32 from vector<16xi32>
      %add3A_141 = arith.addi %scan3A_78, %reduce_sum3A_140 : i32
      scf.yield %add3A_141 : i32
    }
    %scan3A_41 = arith.constant 1280 : i32
    %add3A_42 = arith.constant 128 : i32
    %add3A_43 = arith.addi %scan3A_40, %add3A_42 : i32
    %sub3A = arith.constant 1 : i32
    %sub3A_44 = arith.subi %add3A_43, %sub3A : i32
    %jit3A = arith.constant 128 : i32
    %div3A = arith.divsi %sub3A_44, %jit3A : i32
    %sign3A = arith.constant 0 : i32
    %sign3A_45 = arith.cmpi sgt, %sub3A_44, %sign3A : i32
    %sign3A_46 = arith.extui %sign3A_45 : i1 to i32
    %sign3A_47 = arith.constant 0 : i32
    %sign3A_48 = arith.cmpi slt, %sub3A_44, %sign3A_47 : i32
    %sign3A_49 = arith.extui %sign3A_48 : i1 to i32
    %sign3A_50 = arith.subi %sign3A_46, %sign3A_49 : i32
    %sign3A_51 = arith.constant 0 : i32
    %sign3A_52 = arith.cmpi sgt, %jit3A, %sign3A_51 : i32
    %sign3A_53 = arith.extui %sign3A_52 : i1 to i32
    %sign3A_54 = arith.constant 0 : i32
    %sign3A_55 = arith.cmpi slt, %jit3A, %sign3A_54 : i32
    %sign3A_56 = arith.extui %sign3A_55 : i1 to i32
    %sign3A_57 = arith.subi %sign3A_53, %sign3A_56 : i32
    %ne3A = arith.cmpi ne, %sign3A_50, %sign3A_57 : i32
    %rem3A = arith.remsi %sub3A_44, %jit3A : i32
    %ne3A_58 = arith.constant 0 : i32
    %ne3A_59 = arith.cmpi ne, %rem3A, %ne3A_58 : i32
    %and3A = arith.andi %ne3A, %ne3A_59 : i1
    %sub3A_60 = arith.constant 1 : i32
    %sub3A_61 = arith.subi %div3A, %sub3A_60 : i32
    %select_n3A = arith.select %and3A, %sub3A_61, %div3A : i32
    %scan3A_62 = arith.constant 0 : i32
    %scan3A_63 = arith.constant 160 : i32
    %scan3A_64 = arith.addi %scan3A_62, %scan3A_63 : i32
    %scan3A_65 = arith.constant 1 : i32
    scf.for %scan3A_77 = %scan3A_62 to %scan3A_64 step %scan3A_65  : i32 {
      %mul3A_78 = arith.constant 1 : i32
      %mul3A_79 = arith.muli %scan3A_77, %mul3A_78 : i32
      %add3A_80 = arith.constant 0 : i32
      %add3A_81 = arith.addi %add3A_80, %mul3A_79 : i32
      %scan3A_82 = arith.constant 0 : i32
      %scan3A_83 = arith.constant 8 : i32
      %scan3A_84 = arith.addi %scan3A_82, %scan3A_83 : i32
      %scan3A_85 = arith.constant 1 : i32
      scf.for %scan3A_87 = %scan3A_82 to %scan3A_84 step %scan3A_85  : i32 {
        %mul3A_88 = arith.constant 16 : i32
        %mul3A_89 = arith.muli %scan3A_87, %mul3A_88 : i32
        %add3A_90 = arith.constant 0 : i32
        %add3A_91 = arith.addi %add3A_90, %mul3A_89 : i32
        %mul3A_92 = arith.constant 128 : i32
        %mul3A_93 = arith.muli %add3A_81, %mul3A_92 : i32
        %add3A_94 = arith.addi %mul3A_93, %add3A_91 : i32
        %get3A = arith.index_cast %add3A_94 : i32 to index
        %get3A_95 = tpu.vector_load %arg5[%get3A] {strides = array<i32>} : memref<20480xi32, #tpu.memory_space<vmem>>, vector<16xi32>,
        %shift_right_arithmetic3A = arith.constant 14 : i32
        %shift_right_arithmetic3A_96 = vector.broadcast %shift_right_arithmetic3A : i32 to vector<16xi32>
        %shift_right_arithmetic3A_97 = arith.shrsi %get3A_95, %shift_right_arithmetic3A_96 : vector<16xi32>
        %swap3A = arith.index_cast %add3A_81 : i32 to index
        %swap3A_98 = arith.index_cast %add3A_91 : i32 to index
        %swap3A_99 = tpu.vector_load %arg6[%swap3A, %swap3A_98] {strides = array<i32>} : memref<160x128xi32, #tpu.memory_space<vmem>>, vector<16xi32>,
        tpu.vector_store %arg6[%swap3A, %swap3A_98], %shift_right_arithmetic3A_97 {strides = array<i32>} : memref<160x128xi32, #tpu.memory_space<vmem>>, vector<16xi32>,
        %and3A_100 = arith.constant 16383 : i32
        %and3A_101 = vector.broadcast %and3A_100 : i32 to vector<16xi32>
        %and3A_102 = arith.andi %get3A_95, %and3A_101 : vector<16xi32>
        %mul3A_103 = arith.constant 128 : i32
        %mul3A_104 = arith.muli %add3A_81, %mul3A_103 : i32
        %add3A_105 = arith.addi %mul3A_104, %add3A_91 : i32
        %swap3A_106 = arith.index_cast %add3A_105 : i32 to index
        %swap3A_107 = tpu.vector_load %arg5[%swap3A_106] {strides = array<i32>} : memref<20480xi32, #tpu.memory_space<vmem>>, vector<16xi32>,
        tpu.vector_store %arg5[%swap3A_106], %and3A_102 {strides = array<i32>} : memref<20480xi32, #tpu.memory_space<vmem>>, vector<16xi32>,
      }
      %scan3A_86 = arith.constant 8 : i32
    }
    %scan3A_66 = arith.constant 160 : i32
    %barrier3A = arith.constant 0 : index
    tpu.barrier barrier_id(%barrier3A)
    %while3A = arith.constant 0 : i32
    %while3A_67 = arith.constant 0 : i32
    %while3A_68 = arith.subi %select_n3A, %while3A_67 : i32
    %while3A_69 = arith.addi %while3A_67, %while3A_68 : i32
    %while3A_70 = arith.constant 1 : i32
    %while3A_71 = arith.divsi %while3A_68, %while3A_70 : i32
    %while3A_72 = arith.muli %while3A_71, %while3A_70 : i32
    %while3A_73 = arith.addi %while3A_67, %while3A_72 : i32
    %while3A_74 = arith.constant 1 : i32
    scf.for %while3A_77 = %while3A_67 to %while3A_73 step %while3A_74  : i32 {
      %mul3A_78 = arith.constant 128 : i32
      %mul3A_79 = arith.muli %while3A_77, %mul3A_78 : i32
      %dma_start3A_80 = arith.constant 0 : i32
      %dma_start3A_81 = arith.constant 0 : i32
      %dma_start3A_82 = arith.constant 0 : i32
      %dma_start3A_83 = tpu.memref_slice %arg7[%dma_start3A_80, %dma_start3A_81, %dma_start3A_82] : memref<2x128x128xf32, #tpu.memory_space<vmem>> -> memref<1x128x128xf32, #tpu.memory_space<vmem>>
      %dma_start3A_84 = tpu.memref_squeeze %dma_start3A_83 : memref<1x128x128xf32, #tpu.memory_space<vmem>> -> memref<128x128xf32, #tpu.memory_space<vmem>>
      %dma_start3A_85 = tpu.memref_slice %arg5[%mul3A_79] : memref<20480xi32, #tpu.memory_space<vmem>> -> memref<128xi32, #tpu.memory_space<vmem>>
      %dma_start3A_86 = arith.constant 0 : i32
      %dma_start3A_87 = arith.constant 0 : i32
      %dma_start3A_88 = tpu.memref_slice %arg2[%dma_start3A_86, %dma_start3A_87] : memref<10000x128xf32, #tpu.memory_space<hbm>> -> memref<10000x128xf32, #tpu.memory_space<hbm>>
      tpu.enqueue_indirect_dma source(%dma_start3A_88 : memref<10000x128xf32, #tpu.memory_space<hbm>>) target(%dma_start3A_84 : memref<128x128xf32, #tpu.memory_space<vmem>>) offsets(%dma_start3A_85 : memref<128xi32, #tpu.memory_space<vmem>>) semaphore(%arg9 : memref<!tpu.dma_semaphore, #tpu.memory_space<semaphore_mem>>)
      %dma_wait3A_89 = arith.constant 0 : i32
      %dma_wait3A_90 = arith.constant 0 : i32
      %dma_wait3A_91 = arith.constant 0 : i32
      %dma_wait3A_92 = tpu.memref_slice %arg7[%dma_wait3A_89, %dma_wait3A_90, %dma_wait3A_91] : memref<2x128x128xf32, #tpu.memory_space<vmem>> -> memref<1x128x128xf32, #tpu.memory_space<vmem>>
      %dma_wait3A_93 = tpu.memref_squeeze %dma_wait3A_92 : memref<1x128x128xf32, #tpu.memory_space<vmem>> -> memref<128x128xf32, #tpu.memory_space<vmem>>
      %dma_wait3A_94 = tpu.memref_slice %arg5[%mul3A_79] : memref<20480xi32, #tpu.memory_space<vmem>> -> memref<128xi32, #tpu.memory_space<vmem>>
      %dma_wait3A_95 = arith.constant 0 : i32
      %dma_wait3A_96 = arith.constant 0 : i32
      %dma_wait3A_97 = tpu.memref_slice %arg2[%dma_wait3A_95, %dma_wait3A_96] : memref<10000x128xf32, #tpu.memory_space<hbm>> -> memref<10000x128xf32, #tpu.memory_space<hbm>>
      tpu.wait_indirect_dma semaphore(%arg9 : memref<!tpu.dma_semaphore, #tpu.memory_space<semaphore_mem>>) src(%dma_wait3A_97 : memref<10000x128xf32, #tpu.memory_space<hbm>>) dst(%dma_wait3A_93 : memref<128x128xf32, #tpu.memory_space<vmem>>)
      %run_scoped3A = arith.constant 0 : i32
      "tpu.region"() ({
        %run_scoped3A_98 = tpu.sem_alloc : memref<!tpu.dma_semaphore, #tpu.memory_space<semaphore_mem>>
        %dma_start3A_99 = arith.constant 0 : i32
        %dma_start3A_100 = arith.constant 0 : i32
        %dma_start3A_101 = tpu.memref_slice %arg7[%run_scoped3A, %dma_start3A_99, %dma_start3A_100] : memref<2x128x128xf32, #tpu.memory_space<vmem>> -> memref<1x128x128xf32, #tpu.memory_space<vmem>>
        %dma_start3A_102 = tpu.memref_squeeze %dma_start3A_101 : memref<1x128x128xf32, #tpu.memory_space<vmem>> -> memref<128x128xf32, #tpu.memory_space<vmem>>
        %dma_start3A_103 = arith.constant 0 : i32
        %dma_start3A_104 = tpu.memref_slice %arg6[%while3A_77, %dma_start3A_103] : memref<160x128xi32, #tpu.memory_space<vmem>> -> memref<1x128xi32, #tpu.memory_space<vmem>>
        %dma_start3A_105 = tpu.memref_squeeze %dma_start3A_104 : memref<1x128xi32, #tpu.memory_space<vmem>> -> memref<128xi32, #tpu.memory_space<vmem>>
        %dma_start3A_106 = arith.constant 0 : i32
        %dma_start3A_107 = arith.constant 0 : i32
        %dma_start3A_108 = tpu.memref_slice %arg8[%dma_start3A_106, %dma_start3A_107] : memref<5120x128xf32, #tpu.memory_space<vmem_shared>> -> memref<5120x128xf32, #tpu.memory_space<vmem_shared>>
        tpu.enqueue_indirect_dma source(%dma_start3A_102 : memref<128x128xf32, #tpu.memory_space<vmem>>) target(%dma_start3A_108 : memref<5120x128xf32, #tpu.memory_space<vmem_shared>>) offsets(%dma_start3A_105 : memref<128xi32, #tpu.memory_space<vmem>>) semaphore(%run_scoped3A_98 : memref<!tpu.dma_semaphore, #tpu.memory_space<semaphore_mem>>) {add = true}
        %dma_wait3A_109 = arith.constant 0 : i32
        %dma_wait3A_110 = arith.constant 0 : i32
        %dma_wait3A_111 = tpu.memref_slice %arg7[%run_scoped3A, %dma_wait3A_109, %dma_wait3A_110] : memref<2x128x128xf32, #tpu.memory_space<vmem>> -> memref<1x128x128xf32, #tpu.memory_space<vmem>>
        %dma_wait3A_112 = tpu.memref_squeeze %dma_wait3A_111 : memref<1x128x128xf32, #tpu.memory_space<vmem>> -> memref<128x128xf32, #tpu.memory_space<vmem>>
        %dma_wait3A_113 = arith.constant 0 : i32
        %dma_wait3A_114 = tpu.memref_slice %arg6[%while3A_77, %dma_wait3A_113] : memref<160x128xi32, #tpu.memory_space<vmem>> -> memref<1x128xi32, #tpu.memory_space<vmem>>
        %dma_wait3A_115 = tpu.memref_squeeze %dma_wait3A_114 : memref<1x128xi32, #tpu.memory_space<vmem>> -> memref<128xi32, #tpu.memory_space<vmem>>
        %dma_wait3A_116 = arith.constant 0 : i32
        %dma_wait3A_117 = arith.constant 0 : i32
        %dma_wait3A_118 = tpu.memref_slice %arg8[%dma_wait3A_116, %dma_wait3A_117] : memref<5120x128xf32, #tpu.memory_space<vmem_shared>> -> memref<5120x128xf32, #tpu.memory_space<vmem_shared>>
        tpu.wait_indirect_dma semaphore(%run_scoped3A_98 : memref<!tpu.dma_semaphore, #tpu.memory_space<semaphore_mem>>) src(%dma_wait3A_112 : memref<128x128xf32, #tpu.memory_space<vmem>>) dst(%dma_wait3A_118 : memref<5120x128xf32, #tpu.memory_space<vmem_shared>>)
        tpu.yield
      }) : () -> ()
    }
    %while3A_75 = arith.constant 1 : i32
    scf.for %while3A_77 = %while3A_73 to %while3A_69 step %while3A_75  : i32 {
      %mul3A_78 = arith.constant 128 : i32
      %mul3A_79 = arith.muli %while3A_77, %mul3A_78 : i32
      %dma_start3A_80 = arith.constant 0 : i32
      %dma_start3A_81 = arith.constant 0 : i32
      %dma_start3A_82 = arith.constant 0 : i32
      %dma_start3A_83 = tpu.memref_slice %arg7[%dma_start3A_80, %dma_start3A_81, %dma_start3A_82] : memref<2x128x128xf32, #tpu.memory_space<vmem>> -> memref<1x128x128xf32, #tpu.memory_space<vmem>>
      %dma_start3A_84 = tpu.memref_squeeze %dma_start3A_83 : memref<1x128x128xf32, #tpu.memory_space<vmem>> -> memref<128x128xf32, #tpu.memory_space<vmem>>
      %dma_start3A_85 = tpu.memref_slice %arg5[%mul3A_79] : memref<20480xi32, #tpu.memory_space<vmem>> -> memref<128xi32, #tpu.memory_space<vmem>>
      %dma_start3A_86 = arith.constant 0 : i32
      %dma_start3A_87 = arith.constant 0 : i32
      %dma_start3A_88 = tpu.memref_slice %arg2[%dma_start3A_86, %dma_start3A_87] : memref<10000x128xf32, #tpu.memory_space<hbm>> -> memref<10000x128xf32, #tpu.memory_space<hbm>>
      tpu.enqueue_indirect_dma source(%dma_start3A_88 : memref<10000x128xf32, #tpu.memory_space<hbm>>) target(%dma_start3A_84 : memref<128x128xf32, #tpu.memory_space<vmem>>) offsets(%dma_start3A_85 : memref<128xi32, #tpu.memory_space<vmem>>) semaphore(%arg9 : memref<!tpu.dma_semaphore, #tpu.memory_space<semaphore_mem>>)
      %dma_wait3A_89 = arith.constant 0 : i32
      %dma_wait3A_90 = arith.constant 0 : i32
      %dma_wait3A_91 = arith.constant 0 : i32
      %dma_wait3A_92 = tpu.memref_slice %arg7[%dma_wait3A_89, %dma_wait3A_90, %dma_wait3A_91] : memref<2x128x128xf32, #tpu.memory_space<vmem>> -> memref<1x128x128xf32, #tpu.memory_space<vmem>>
      %dma_wait3A_93 = tpu.memref_squeeze %dma_wait3A_92 : memref<1x128x128xf32, #tpu.memory_space<vmem>> -> memref<128x128xf32, #tpu.memory_space<vmem>>
      %dma_wait3A_94 = tpu.memref_slice %arg5[%mul3A_79] : memref<20480xi32, #tpu.memory_space<vmem>> -> memref<128xi32, #tpu.memory_space<vmem>>
      %dma_wait3A_95 = arith.constant 0 : i32
      %dma_wait3A_96 = arith.constant 0 : i32
      %dma_wait3A_97 = tpu.memref_slice %arg2[%dma_wait3A_95, %dma_wait3A_96] : memref<10000x128xf32, #tpu.memory_space<hbm>> -> memref<10000x128xf32, #tpu.memory_space<hbm>>
      tpu.wait_indirect_dma semaphore(%arg9 : memref<!tpu.dma_semaphore, #tpu.memory_space<semaphore_mem>>) src(%dma_wait3A_97 : memref<10000x128xf32, #tpu.memory_space<hbm>>) dst(%dma_wait3A_93 : memref<128x128xf32, #tpu.memory_space<vmem>>)
      %run_scoped3A = arith.constant 0 : i32
      "tpu.region"() ({
        %run_scoped3A_98 = tpu.sem_alloc : memref<!tpu.dma_semaphore, #tpu.memory_space<semaphore_mem>>
        %dma_start3A_99 = arith.constant 0 : i32
        %dma_start3A_100 = arith.constant 0 : i32
        %dma_start3A_101 = tpu.memref_slice %arg7[%run_scoped3A, %dma_start3A_99, %dma_start3A_100] : memref<2x128x128xf32, #tpu.memory_space<vmem>> -> memref<1x128x128xf32, #tpu.memory_space<vmem>>
        %dma_start3A_102 = tpu.memref_squeeze %dma_start3A_101 : memref<1x128x128xf32, #tpu.memory_space<vmem>> -> memref<128x128xf32, #tpu.memory_space<vmem>>
        %dma_start3A_103 = arith.constant 0 : i32
        %dma_start3A_104 = tpu.memref_slice %arg6[%while3A_77, %dma_start3A_103] : memref<160x128xi32, #tpu.memory_space<vmem>> -> memref<1x128xi32, #tpu.memory_space<vmem>>
        %dma_start3A_105 = tpu.memref_squeeze %dma_start3A_104 : memref<1x128xi32, #tpu.memory_space<vmem>> -> memref<128xi32, #tpu.memory_space<vmem>>
        %dma_start3A_106 = arith.constant 0 : i32
        %dma_start3A_107 = arith.constant 0 : i32
        %dma_start3A_108 = tpu.memref_slice %arg8[%dma_start3A_106, %dma_start3A_107] : memref<5120x128xf32, #tpu.memory_space<vmem_shared>> -> memref<5120x128xf32, #tpu.memory_space<vmem_shared>>
        tpu.enqueue_indirect_dma source(%dma_start3A_102 : memref<128x128xf32, #tpu.memory_space<vmem>>) target(%dma_start3A_108 : memref<5120x128xf32, #tpu.memory_space<vmem_shared>>) offsets(%dma_start3A_105 : memref<128xi32, #tpu.memory_space<vmem>>) semaphore(%run_scoped3A_98 : memref<!tpu.dma_semaphore, #tpu.memory_space<semaphore_mem>>) {add = true}
        %dma_wait3A_109 = arith.constant 0 : i32
        %dma_wait3A_110 = arith.constant 0 : i32
        %dma_wait3A_111 = tpu.memref_slice %arg7[%run_scoped3A, %dma_wait3A_109, %dma_wait3A_110] : memref<2x128x128xf32, #tpu.memory_space<vmem>> -> memref<1x128x128xf32, #tpu.memory_space<vmem>>
        %dma_wait3A_112 = tpu.memref_squeeze %dma_wait3A_111 : memref<1x128x128xf32, #tpu.memory_space<vmem>> -> memref<128x128xf32, #tpu.memory_space<vmem>>
        %dma_wait3A_113 = arith.constant 0 : i32
        %dma_wait3A_114 = tpu.memref_slice %arg6[%while3A_77, %dma_wait3A_113] : memref<160x128xi32, #tpu.memory_space<vmem>> -> memref<1x128xi32, #tpu.memory_space<vmem>>
        %dma_wait3A_115 = tpu.memref_squeeze %dma_wait3A_114 : memref<1x128xi32, #tpu.memory_space<vmem>> -> memref<128xi32, #tpu.memory_space<vmem>>
        %dma_wait3A_116 = arith.constant 0 : i32
        %dma_wait3A_117 = arith.constant 0 : i32
        %dma_wait3A_118 = tpu.memref_slice %arg8[%dma_wait3A_116, %dma_wait3A_117] : memref<5120x128xf32, #tpu.memory_space<vmem_shared>> -> memref<5120x128xf32, #tpu.memory_space<vmem_shared>>
        tpu.wait_indirect_dma semaphore(%run_scoped3A_98 : memref<!tpu.dma_semaphore, #tpu.memory_space<semaphore_mem>>) src(%dma_wait3A_112 : memref<128x128xf32, #tpu.memory_space<vmem>>) dst(%dma_wait3A_118 : memref<5120x128xf32, #tpu.memory_space<vmem_shared>>)
        tpu.yield
      }) : () -> ()
    }
    %barrier3A_76 = arith.constant 0 : index
    tpu.barrier barrier_id(%barrier3A_76)
    "tpu.region"() ({
      %run_scoped3A = tpu.sem_alloc : memref<!tpu.dma_semaphore, #tpu.memory_space<semaphore_mem>>
      %dma_start3A_77 = arith.constant 0 : i32
      %dma_start3A_78 = tpu.memref_slice %arg4[%arg0, %mul3A_0, %dma_start3A_77] : memref<2x5120x128xf32, #tpu.memory_space<hbm>> -> memref<1x320x128xf32, #tpu.memory_space<hbm>>
      %dma_start3A_79 = tpu.memref_squeeze %dma_start3A_78 : memref<1x320x128xf32, #tpu.memory_space<hbm>> -> memref<320x128xf32, #tpu.memory_space<hbm>>
      %dma_start3A_80 = arith.constant 0 : i32
      %dma_start3A_81 = tpu.memref_slice %arg8[%mul3A_0, %dma_start3A_80] : memref<5120x128xf32, #tpu.memory_space<vmem_shared>> -> memref<320x128xf32, #tpu.memory_space<vmem_shared>>
      tpu.enqueue_dma source(%dma_start3A_81 : memref<320x128xf32, #tpu.memory_space<vmem_shared>>) target(%dma_start3A_79 : memref<320x128xf32, #tpu.memory_space<hbm>>) target_semaphore(%run_scoped3A : memref<!tpu.dma_semaphore, #tpu.memory_space<semaphore_mem>>)
      %dma_wait3A_82 = arith.constant 0 : i32
      %dma_wait3A_83 = tpu.memref_slice %arg4[%arg0, %mul3A_0, %dma_wait3A_82] : memref<2x5120x128xf32, #tpu.memory_space<hbm>> -> memref<1x320x128xf32, #tpu.memory_space<hbm>>
      %dma_wait3A_84 = tpu.memref_squeeze %dma_wait3A_83 : memref<1x320x128xf32, #tpu.memory_space<hbm>> -> memref<320x128xf32, #tpu.memory_space<hbm>>
      %dma_wait3A_85 = arith.constant 0 : i32
      %dma_wait3A_86 = tpu.memref_slice %arg8[%mul3A_0, %dma_wait3A_85] : memref<5120x128xf32, #tpu.memory_space<vmem_shared>> -> memref<320x128xf32, #tpu.memory_space<vmem_shared>>
      tpu.wait_dma2 semaphore(%run_scoped3A : memref<!tpu.dma_semaphore, #tpu.memory_space<semaphore_mem>>) src(%dma_wait3A_86 : memref<320x128xf32, #tpu.memory_space<vmem_shared>>) dst(%dma_wait3A_84 : memref<320x128xf32, #tpu.memory_space<hbm>>)
      tpu.yield
    }) : () -> ()
    return
  }
}

module attributes {stable_mosaic.version = 14 : i64} {
  func.func @_tc_proj_body(%arg0: i32, %arg1: memref<1000x384xf32, #tpu.memory_space<vmem>>, %arg2: memref<1000x36xf32, #tpu.memory_space<vmem>>, %arg3: memref<384x128xf32, #tpu.memory_space<vmem>>, %arg4: memref<36x128xf32, #tpu.memory_space<vmem>>, %arg5: memref<1x128xf32, #tpu.memory_space<vmem>>, %arg6: memref<128x128xf32, #tpu.memory_space<vmem>>, %arg7: memref<1000x128xf32, #tpu.memory_space<vmem>>, %arg8: memref<1000x128xf32, #tpu.memory_space<vmem>>) attributes {dimension_semantics = [#tpu.dimension_semantics<arbitrary>], iteration_bounds = array<i64: 10>, scalar_prefetch = 0 : i64, scratch_operands = 0 : i64, tpu.core_type = #tpu.core_type<tc>, window_params = [{transform_indices = @transform_0, window_bounds = array<i64: 1000, 384>}, {transform_indices = @transform_1, window_bounds = array<i64: 1000, 36>}, {pipeline_mode = #tpu.pipeline_mode<synchronous>, transform_indices = @transform_2, window_bounds = array<i64: 384, 128>}, {pipeline_mode = #tpu.pipeline_mode<synchronous>, transform_indices = @transform_3, window_bounds = array<i64: 36, 128>}, {pipeline_mode = #tpu.pipeline_mode<synchronous>, transform_indices = @transform_4, window_bounds = array<i64: 1, 128>}, {pipeline_mode = #tpu.pipeline_mode<synchronous>, transform_indices = @transform_5, window_bounds = array<i64: 128, 128>}, {transform_indices = @transform_6, window_bounds = array<i64: 1000, 128>}, {transform_indices = @transform_7, window_bounds = array<i64: 1000, 128>}]} {
    %get3A = arith.constant 0 : index
    %get3A_0 = arith.constant 0 : index
    %get3A_1 = vector.load %arg1[%get3A, %get3A_0] : memref<1000x384xf32, #tpu.memory_space<vmem>>, vector<1000x384xf32>
    %get3A_2 = arith.constant 0 : index
    %get3A_3 = arith.constant 0 : index
    %get3A_4 = vector.load %arg3[%get3A_2, %get3A_3] : memref<384x128xf32, #tpu.memory_space<vmem>>, vector<384x128xf32>
    %dot_general3A = arith.constant dense<0.000000e+00> : vector<1000x128xf32>
    %dot_general3A_5 = tpu.matmul %get3A_1, %get3A_4, %dot_general3A {dimension_numbers = #tpu.dot_dimension_numbers<[1], [0], [0], [1], [0, 0, 1, 1], [], []>, transpose_lhs_hint = false} : vector<1000x384xf32>, vector<384x128xf32>, vector<1000x128xf32> -> vector<1000x128xf32>
    %get3A_6 = arith.constant 0 : index
    %get3A_7 = arith.constant 0 : index
    %get3A_8 = vector.load %arg2[%get3A_6, %get3A_7] : memref<1000x36xf32, #tpu.memory_space<vmem>>, vector<1000x36xf32>
    %get3A_9 = arith.constant 0 : index
    %get3A_10 = arith.constant 0 : index
    %get3A_11 = vector.load %arg4[%get3A_9, %get3A_10] : memref<36x128xf32, #tpu.memory_space<vmem>>, vector<36x128xf32>
    %dot_general3A_12 = arith.constant dense<0.000000e+00> : vector<1000x128xf32>
    %dot_general3A_13 = tpu.matmul %get3A_8, %get3A_11, %dot_general3A_12 {dimension_numbers = #tpu.dot_dimension_numbers<[1], [0], [0], [1], [0, 0, 1, 1], [], []>, transpose_lhs_hint = false} : vector<1000x36xf32>, vector<36x128xf32>, vector<1000x128xf32> -> vector<1000x128xf32>
    %add3A = arith.addf %dot_general3A_5, %dot_general3A_13 : vector<1000x128xf32>
    %get3A_14 = arith.constant 0 : index
    %get3A_15 = arith.constant 0 : index
    %get3A_16 = vector.load %arg5[%get3A_14, %get3A_15] : memref<1x128xf32, #tpu.memory_space<vmem>>, vector<1x128xf32>
    %add3A_17 = vector.broadcast %get3A_16 : vector<1x128xf32> to vector<1000x128xf32>
    %add3A_18 = arith.addf %add3A, %add3A_17 : vector<1000x128xf32>
    %mul3A = arith.constant 5.000000e-01 : f32
    %mul3A_19 = vector.broadcast %mul3A : f32 to vector<1000x128xf32>
    %mul3A_20 = arith.mulf %mul3A_19, %add3A_18 : vector<1000x128xf32>
    %mul3A_21 = arith.constant 0.707106769 : f32
    %mul3A_22 = vector.broadcast %mul3A_21 : f32 to vector<1000x128xf32>
    %mul3A_23 = arith.mulf %add3A_18, %mul3A_22 : vector<1000x128xf32>
    %erf3A = math.erf %mul3A_23 : vector<1000x128xf32>
    %add3A_24 = arith.constant 1.000000e+00 : f32
    %add3A_25 = vector.broadcast %add3A_24 : f32 to vector<1000x128xf32>
    %add3A_26 = arith.addf %add3A_25, %erf3A : vector<1000x128xf32>
    %mul3A_27 = arith.mulf %mul3A_20, %add3A_26 : vector<1000x128xf32>
    %swap3A = arith.constant 0 : index
    %swap3A_28 = arith.constant 0 : index
    %swap3A_29 = vector.load %arg7[%swap3A, %swap3A_28] : memref<1000x128xf32, #tpu.memory_space<vmem>>, vector<1000x128xf32>
    tpu.vector_store %arg7[%swap3A, %swap3A_28], %mul3A_27 {strides = array<i32>} : memref<1000x128xf32, #tpu.memory_space<vmem>>, vector<1000x128xf32>,
    %get3A_30 = arith.constant 0 : index
    %get3A_31 = arith.constant 0 : index
    %get3A_32 = vector.load %arg6[%get3A_30, %get3A_31] : memref<128x128xf32, #tpu.memory_space<vmem>>, vector<128x128xf32>
    %dot_general3A_33 = arith.constant dense<0.000000e+00> : vector<1000x128xf32>
    %dot_general3A_34 = tpu.matmul %mul3A_27, %get3A_32, %dot_general3A_33 {dimension_numbers = #tpu.dot_dimension_numbers<[1], [0], [0], [1], [0, 0, 1, 1], [], []>, transpose_lhs_hint = false} : vector<1000x128xf32>, vector<128x128xf32>, vector<1000x128xf32> -> vector<1000x128xf32>
    %swap3A_35 = arith.constant 0 : index
    %swap3A_36 = arith.constant 0 : index
    %swap3A_37 = vector.load %arg8[%swap3A_35, %swap3A_36] : memref<1000x128xf32, #tpu.memory_space<vmem>>, vector<1000x128xf32>
    tpu.vector_store %arg8[%swap3A_35, %swap3A_36], %dot_general3A_34 {strides = array<i32>} : memref<1000x128xf32, #tpu.memory_space<vmem>>, vector<1000x128xf32>,
    return
  }
  func.func @transform_0(%arg0: i32) -> (i32, i32) {
    %c0_i32 = arith.constant 0 : i32
    %c0_i32_0 = arith.constant 0 : i32
    return %arg0, %c0_i32 : i32, i32
  }
  func.func @transform_1(%arg0: i32) -> (i32, i32) {
    %c0_i32 = arith.constant 0 : i32
    %c0_i32_0 = arith.constant 0 : i32
    return %arg0, %c0_i32 : i32, i32
  }
  func.func @transform_2(%arg0: i32) -> (i32, i32) {
    %c0_i32 = arith.constant 0 : i32
    %c0_i32_0 = arith.constant 0 : i32
    %c0_i32_1 = arith.constant 0 : i32
    return %c0_i32, %c0_i32_0 : i32, i32
  }
  func.func @transform_3(%arg0: i32) -> (i32, i32) {
    %c0_i32 = arith.constant 0 : i32
    %c0_i32_0 = arith.constant 0 : i32
    %c0_i32_1 = arith.constant 0 : i32
    return %c0_i32, %c0_i32_0 : i32, i32
  }
  func.func @transform_4(%arg0: i32) -> (i32, i32) {
    %c0_i32 = arith.constant 0 : i32
    %c0_i32_0 = arith.constant 0 : i32
    %c0_i32_1 = arith.constant 0 : i32
    return %c0_i32, %c0_i32_0 : i32, i32
  }
  func.func @transform_5(%arg0: i32) -> (i32, i32) {
    %c0_i32 = arith.constant 0 : i32
    %c0_i32_0 = arith.constant 0 : i32
    %c0_i32_1 = arith.constant 0 : i32
    return %c0_i32, %c0_i32_0 : i32, i32
  }
  func.func @transform_6(%arg0: i32) -> (i32, i32) {
    %c0_i32 = arith.constant 0 : i32
    %c0_i32_0 = arith.constant 0 : i32
    return %arg0, %c0_i32 : i32, i32
  }
  func.func @transform_7(%arg0: i32) -> (i32, i32) {
    %c0_i32 = arith.constant 0 : i32
    %c0_i32_0 = arith.constant 0 : i32
    return %arg0, %c0_i32 : i32, i32
  }
}

module attributes {stable_mosaic.version = 14 : i64} {
  func.func @_tc_deg_body(%arg0: memref<32x10112xf32, #tpu.memory_space<vmem>>, %arg1: memref<10112x1xf32, #tpu.memory_space<vmem>>) attributes {dimension_semantics = [], scalar_prefetch = 0 : i64, scratch_operands = 0 : i64, tpu.core_type = #tpu.core_type<tc>} {
    %get3A = arith.constant 0 : index
    %get3A_0 = arith.constant 0 : index
    %get3A_1 = vector.load %arg0[%get3A, %get3A_0] : memref<32x10112xf32, #tpu.memory_space<vmem>>, vector<32x10112xf32>
    %reduce_sum3A = arith.constant dense<0.000000e+00> : vector<10112xf32>
    %reduce_sum3A_2 = vector.multi_reduction <add>, %get3A_1, %reduce_sum3A [0] : vector<32x10112xf32> to vector<10112xf32>
    %broadcast_in_dim3A = vector.shape_cast %reduce_sum3A_2 : vector<10112xf32> to vector<10112x1xf32>
    %add3A = arith.constant 1.000000e+00 : f32
    %add3A_3 = vector.broadcast %add3A : f32 to vector<10112x1xf32>
    %add3A_4 = arith.addf %broadcast_in_dim3A, %add3A_3 : vector<10112x1xf32>
    %swap3A = arith.constant 0 : index
    %swap3A_5 = arith.constant 0 : index
    %swap3A_6 = vector.load %arg1[%swap3A, %swap3A_5] : memref<10112x1xf32, #tpu.memory_space<vmem>>, vector<10112x1xf32>
    tpu.vector_store %arg1[%swap3A, %swap3A_5], %add3A_4 {strides = array<i32>} : memref<10112x1xf32, #tpu.memory_space<vmem>>, vector<10112x1xf32>,
    return
  }
}

module attributes {stable_mosaic.version = 14 : i64} {
  func.func @_tc_scale_body(%arg0: i32, %arg1: memref<1000x128xf32, #tpu.memory_space<vmem>>, %arg2: memref<1000x1xf32, #tpu.memory_space<vmem>>, %arg3: memref<1000x128xf32, #tpu.memory_space<vmem>>, %arg4: memref<1000x1xf32, #tpu.memory_space<vmem>>) attributes {dimension_semantics = [#tpu.dimension_semantics<arbitrary>], iteration_bounds = array<i64: 10>, scalar_prefetch = 0 : i64, scratch_operands = 0 : i64, tpu.core_type = #tpu.core_type<tc>, window_params = [{transform_indices = @transform_0, window_bounds = array<i64: 1000, 128>}, {transform_indices = @transform_1, window_bounds = array<i64: 1000, 1>}, {transform_indices = @transform_2, window_bounds = array<i64: 1000, 128>}, {transform_indices = @transform_3, window_bounds = array<i64: 1000, 1>}]} {
    %get3A = arith.constant 0 : index
    %get3A_0 = arith.constant 0 : index
    %get3A_1 = vector.load %arg2[%get3A, %get3A_0] : memref<1000x1xf32, #tpu.memory_space<vmem>>, vector<1000x1xf32>
    %rsqrt3A = math.rsqrt %get3A_1 : vector<1000x1xf32>
    %swap3A = arith.constant 0 : index
    %swap3A_2 = arith.constant 0 : index
    %swap3A_3 = vector.load %arg4[%swap3A, %swap3A_2] : memref<1000x1xf32, #tpu.memory_space<vmem>>, vector<1000x1xf32>
    tpu.vector_store %arg4[%swap3A, %swap3A_2], %rsqrt3A {strides = array<i32>} : memref<1000x1xf32, #tpu.memory_space<vmem>>, vector<1000x1xf32>,
    %get3A_4 = arith.constant 0 : index
    %get3A_5 = arith.constant 0 : index
    %get3A_6 = vector.load %arg1[%get3A_4, %get3A_5] : memref<1000x128xf32, #tpu.memory_space<vmem>>, vector<1000x128xf32>
    %mul3A = vector.broadcast %rsqrt3A : vector<1000x1xf32> to vector<1000x128xf32>
    %mul3A_7 = arith.mulf %get3A_6, %mul3A : vector<1000x128xf32>
    %swap3A_8 = arith.constant 0 : index
    %swap3A_9 = arith.constant 0 : index
    %swap3A_10 = vector.load %arg3[%swap3A_8, %swap3A_9] : memref<1000x128xf32, #tpu.memory_space<vmem>>, vector<1000x128xf32>
    tpu.vector_store %arg3[%swap3A_8, %swap3A_9], %mul3A_7 {strides = array<i32>} : memref<1000x128xf32, #tpu.memory_space<vmem>>, vector<1000x128xf32>,
    return
  }
  func.func @transform_0(%arg0: i32) -> (i32, i32) {
    %c0_i32 = arith.constant 0 : i32
    %c0_i32_0 = arith.constant 0 : i32
    return %arg0, %c0_i32 : i32, i32
  }
  func.func @transform_1(%arg0: i32) -> (i32, i32) {
    %c0_i32 = arith.constant 0 : i32
    %c0_i32_0 = arith.constant 0 : i32
    return %arg0, %c0_i32 : i32, i32
  }
  func.func @transform_2(%arg0: i32) -> (i32, i32) {
    %c0_i32 = arith.constant 0 : i32
    %c0_i32_0 = arith.constant 0 : i32
    return %arg0, %c0_i32 : i32, i32
  }
  func.func @transform_3(%arg0: i32) -> (i32, i32) {
    %c0_i32 = arith.constant 0 : i32
    %c0_i32_0 = arith.constant 0 : i32
    return %arg0, %c0_i32 : i32, i32
  }
}

module attributes {stable_mosaic.version = 14 : i64} {
  func.func @_tc_final_body(%arg0: i32, %arg1: memref<1x1000x128xf32, #tpu.memory_space<vmem>>, %arg2: memref<1000x128xf32, #tpu.memory_space<vmem>>, %arg3: memref<1000x1xf32, #tpu.memory_space<vmem>>, %arg4: memref<1000x128xf32, #tpu.memory_space<vmem>>, %arg5: memref<1x128xf32, #tpu.memory_space<vmem>>, %arg6: memref<1x128xf32, #tpu.memory_space<vmem>>, %arg7: memref<1x128xf32, #tpu.memory_space<vmem>>, %arg8: memref<1000x128xf32, #tpu.memory_space<vmem>>) attributes {dimension_semantics = [#tpu.dimension_semantics<arbitrary>], iteration_bounds = array<i64: 10>, scalar_prefetch = 0 : i64, scratch_operands = 0 : i64, tpu.core_type = #tpu.core_type<tc>, window_params = [{transform_indices = @transform_0, window_bounds = array<i64: 1, 1000, 128>}, {transform_indices = @transform_1, window_bounds = array<i64: 1000, 128>}, {transform_indices = @transform_2, window_bounds = array<i64: 1000, 1>}, {transform_indices = @transform_3, window_bounds = array<i64: 1000, 128>}, {pipeline_mode = #tpu.pipeline_mode<synchronous>, transform_indices = @transform_4, window_bounds = array<i64: 1, 128>}, {pipeline_mode = #tpu.pipeline_mode<synchronous>, transform_indices = @transform_5, window_bounds = array<i64: 1, 128>}, {pipeline_mode = #tpu.pipeline_mode<synchronous>, transform_indices = @transform_6, window_bounds = array<i64: 1, 128>}, {transform_indices = @transform_7, window_bounds = array<i64: 1000, 128>}]} {
    %get3A = arith.constant 0 : index
    %get3A_0 = arith.constant 0 : index
    %get3A_1 = arith.constant 0 : index
    %get3A_2 = vector.load %arg1[%get3A, %get3A_0, %get3A_1] : memref<1x1000x128xf32, #tpu.memory_space<vmem>>, vector<1x1000x128xf32>
    %get3A_3 = vector.shape_cast %get3A_2 : vector<1x1000x128xf32> to vector<1000x128xf32>
    %get3A_4 = arith.constant 0 : index
    %get3A_5 = arith.constant 0 : index
    %get3A_6 = vector.load %arg2[%get3A_4, %get3A_5] : memref<1000x128xf32, #tpu.memory_space<vmem>>, vector<1000x128xf32>
    %add3A = arith.addf %get3A_3, %get3A_6 : vector<1000x128xf32>
    %get3A_7 = arith.constant 0 : index
    %get3A_8 = arith.constant 0 : index
    %get3A_9 = vector.load %arg3[%get3A_7, %get3A_8] : memref<1000x1xf32, #tpu.memory_space<vmem>>, vector<1000x1xf32>
    %mul3A = vector.broadcast %get3A_9 : vector<1000x1xf32> to vector<1000x128xf32>
    %mul3A_10 = arith.mulf %mul3A, %add3A : vector<1000x128xf32>
    %get3A_11 = arith.constant 0 : index
    %get3A_12 = arith.constant 0 : index
    %get3A_13 = vector.load %arg5[%get3A_11, %get3A_12] : memref<1x128xf32, #tpu.memory_space<vmem>>, vector<1x128xf32>
    %add3A_14 = vector.broadcast %get3A_13 : vector<1x128xf32> to vector<1000x128xf32>
    %add3A_15 = arith.addf %mul3A_10, %add3A_14 : vector<1000x128xf32>
    %mul3A_16 = arith.constant 5.000000e-01 : f32
    %mul3A_17 = vector.broadcast %mul3A_16 : f32 to vector<1000x128xf32>
    %mul3A_18 = arith.mulf %mul3A_17, %add3A_15 : vector<1000x128xf32>
    %mul3A_19 = arith.constant 0.707106769 : f32
    %mul3A_20 = vector.broadcast %mul3A_19 : f32 to vector<1000x128xf32>
    %mul3A_21 = arith.mulf %add3A_15, %mul3A_20 : vector<1000x128xf32>
    %erf3A = math.erf %mul3A_21 : vector<1000x128xf32>
    %add3A_22 = arith.constant 1.000000e+00 : f32
    %add3A_23 = vector.broadcast %add3A_22 : f32 to vector<1000x128xf32>
    %add3A_24 = arith.addf %add3A_23, %erf3A : vector<1000x128xf32>
    %mul3A_25 = arith.mulf %mul3A_18, %add3A_24 : vector<1000x128xf32>
    %get3A_26 = arith.constant 0 : index
    %get3A_27 = arith.constant 0 : index
    %get3A_28 = vector.load %arg4[%get3A_26, %get3A_27] : memref<1000x128xf32, #tpu.memory_space<vmem>>, vector<1000x128xf32>
    %add3A_29 = arith.addf %mul3A_25, %get3A_28 : vector<1000x128xf32>
    %reduce_sum3A = arith.constant dense<0.000000e+00> : vector<1000xf32>
    %reduce_sum3A_30 = vector.multi_reduction <add>, %add3A_29, %reduce_sum3A [1] : vector<1000x128xf32> to vector<1000xf32>
    %broadcast_in_dim3A = vector.shape_cast %reduce_sum3A_30 : vector<1000xf32> to vector<1000x1xf32>
    %div3A = arith.constant 1.280000e+02 : f32
    %div3A_31 = vector.broadcast %div3A : f32 to vector<1000x1xf32>
    %div3A_32 = arith.divf %broadcast_in_dim3A, %div3A_31 : vector<1000x1xf32>
    %sub3A = vector.broadcast %div3A_32 : vector<1000x1xf32> to vector<1000x128xf32>
    %sub3A_33 = arith.subf %add3A_29, %sub3A : vector<1000x128xf32>
    %mul3A_34 = arith.mulf %sub3A_33, %sub3A_33 : vector<1000x128xf32>
    %reduce_sum3A_35 = arith.constant dense<0.000000e+00> : vector<1000xf32>
    %reduce_sum3A_36 = vector.multi_reduction <add>, %mul3A_34, %reduce_sum3A_35 [1] : vector<1000x128xf32> to vector<1000xf32>
    %broadcast_in_dim3A_37 = vector.shape_cast %reduce_sum3A_36 : vector<1000xf32> to vector<1000x1xf32>
    %div3A_38 = arith.constant 1.280000e+02 : f32
    %div3A_39 = vector.broadcast %div3A_38 : f32 to vector<1000x1xf32>
    %div3A_40 = arith.divf %broadcast_in_dim3A_37, %div3A_39 : vector<1000x1xf32>
    %add3A_41 = arith.constant 9.99999974E-6 : f32
    %add3A_42 = vector.broadcast %add3A_41 : f32 to vector<1000x1xf32>
    %add3A_43 = arith.addf %div3A_40, %add3A_42 : vector<1000x1xf32>
    %rsqrt3A = math.rsqrt %add3A_43 : vector<1000x1xf32>
    %mul3A_44 = vector.broadcast %rsqrt3A : vector<1000x1xf32> to vector<1000x128xf32>
    %mul3A_45 = arith.mulf %sub3A_33, %mul3A_44 : vector<1000x128xf32>
    %get3A_46 = arith.constant 0 : index
    %get3A_47 = arith.constant 0 : index
    %get3A_48 = vector.load %arg6[%get3A_46, %get3A_47] : memref<1x128xf32, #tpu.memory_space<vmem>>, vector<1x128xf32>
    %mul3A_49 = vector.broadcast %get3A_48 : vector<1x128xf32> to vector<1000x128xf32>
    %mul3A_50 = arith.mulf %mul3A_45, %mul3A_49 : vector<1000x128xf32>
    %get3A_51 = arith.constant 0 : index
    %get3A_52 = arith.constant 0 : index
    %get3A_53 = vector.load %arg7[%get3A_51, %get3A_52] : memref<1x128xf32, #tpu.memory_space<vmem>>, vector<1x128xf32>
    %add3A_54 = vector.broadcast %get3A_53 : vector<1x128xf32> to vector<1000x128xf32>
    %add3A_55 = arith.addf %mul3A_50, %add3A_54 : vector<1000x128xf32>
    %swap3A = arith.constant 0 : index
    %swap3A_56 = arith.constant 0 : index
    %swap3A_57 = vector.load %arg8[%swap3A, %swap3A_56] : memref<1000x128xf32, #tpu.memory_space<vmem>>, vector<1000x128xf32>
    tpu.vector_store %arg8[%swap3A, %swap3A_56], %add3A_55 {strides = array<i32>} : memref<1000x128xf32, #tpu.memory_space<vmem>>, vector<1000x128xf32>,
    return
  }
  func.func @transform_0(%arg0: i32) -> (i32, i32, i32) {
    %jit3A = arith.constant 5 : i32
    %div3A = arith.divsi %arg0, %jit3A : i32
    %sign3A = arith.constant 0 : i32
    %sign3A_0 = arith.cmpi sgt, %arg0, %sign3A : i32
    %sign3A_1 = arith.extui %sign3A_0 : i1 to i32
    %sign3A_2 = arith.constant 0 : i32
    %sign3A_3 = arith.cmpi slt, %arg0, %sign3A_2 : i32
    %sign3A_4 = arith.extui %sign3A_3 : i1 to i32
    %sign3A_5 = arith.subi %sign3A_1, %sign3A_4 : i32
    %sign3A_6 = arith.constant 0 : i32
    %sign3A_7 = arith.cmpi sgt, %jit3A, %sign3A_6 : i32
    %sign3A_8 = arith.extui %sign3A_7 : i1 to i32
    %sign3A_9 = arith.constant 0 : i32
    %sign3A_10 = arith.cmpi slt, %jit3A, %sign3A_9 : i32
    %sign3A_11 = arith.extui %sign3A_10 : i1 to i32
    %sign3A_12 = arith.subi %sign3A_8, %sign3A_11 : i32
    %ne3A = arith.cmpi ne, %sign3A_5, %sign3A_12 : i32
    %rem3A = arith.remsi %arg0, %jit3A : i32
    %ne3A_13 = arith.constant 0 : i32
    %ne3A_14 = arith.cmpi ne, %rem3A, %ne3A_13 : i32
    %and3A = arith.andi %ne3A, %ne3A_14 : i1
    %sub3A = arith.constant 1 : i32
    %sub3A_15 = arith.subi %div3A, %sub3A : i32
    %select_n3A = arith.select %and3A, %sub3A_15, %div3A : i32
    %jit3A_16 = arith.constant 5 : i32
    %eq3A = arith.constant 0 : i32
    %eq3A_17 = arith.cmpi eq, %jit3A_16, %eq3A : i32
    %jit3A_18 = arith.constant 1 : i32
    %select_n3A_19 = arith.select %eq3A_17, %jit3A_18, %jit3A_16 : i32
    %rem3A_20 = arith.remsi %arg0, %select_n3A_19 : i32
    %ne3A_21 = arith.constant 0 : i32
    %ne3A_22 = arith.cmpi ne, %rem3A_20, %ne3A_21 : i32
    %lt3A = arith.constant 0 : i32
    %lt3A_23 = arith.cmpi slt, %rem3A_20, %lt3A : i32
    %lt3A_24 = arith.constant 0 : i32
    %lt3A_25 = arith.cmpi slt, %select_n3A_19, %lt3A_24 : i32
    %ne3A_26 = arith.xori %lt3A_23, %lt3A_25 : i1
    %and3A_27 = arith.andi %ne3A_26, %ne3A_22 : i1
    %add3A = arith.addi %rem3A_20, %select_n3A_19 : i32
    %select_n3A_28 = arith.select %and3A_27, %add3A, %rem3A_20 : i32
    %c0_i32 = arith.constant 0 : i32
    %c0_i32_29 = arith.constant 0 : i32
    return %select_n3A, %select_n3A_28, %c0_i32 : i32, i32, i32
  }
  func.func @transform_1(%arg0: i32) -> (i32, i32) {
    %c0_i32 = arith.constant 0 : i32
    %c0_i32_0 = arith.constant 0 : i32
    return %arg0, %c0_i32 : i32, i32
  }
  func.func @transform_2(%arg0: i32) -> (i32, i32) {
    %c0_i32 = arith.constant 0 : i32
    %c0_i32_0 = arith.constant 0 : i32
    return %arg0, %c0_i32 : i32, i32
  }
  func.func @transform_3(%arg0: i32) -> (i32, i32) {
    %c0_i32 = arith.constant 0 : i32
    %c0_i32_0 = arith.constant 0 : i32
    return %arg0, %c0_i32 : i32, i32
  }
  func.func @transform_4(%arg0: i32) -> (i32, i32) {
    %c0_i32 = arith.constant 0 : i32
    %c0_i32_0 = arith.constant 0 : i32
    %c0_i32_1 = arith.constant 0 : i32
    return %c0_i32, %c0_i32_0 : i32, i32
  }
  func.func @transform_5(%arg0: i32) -> (i32, i32) {
    %c0_i32 = arith.constant 0 : i32
    %c0_i32_0 = arith.constant 0 : i32
    %c0_i32_1 = arith.constant 0 : i32
    return %c0_i32, %c0_i32_0 : i32, i32
  }
  func.func @transform_6(%arg0: i32) -> (i32, i32) {
    %c0_i32 = arith.constant 0 : i32
    %c0_i32_0 = arith.constant 0 : i32
    %c0_i32_1 = arith.constant 0 : i32
    return %c0_i32, %c0_i32_0 : i32, i32
  }
  func.func @transform_7(%arg0: i32) -> (i32, i32) {
    %c0_i32 = arith.constant 0 : i32
    %c0_i32_0 = arith.constant 0 : i32
    return %arg0, %c0_i32 : i32, i32
  }
}

</mosaic_0001>

<sc_bundles>
// kernel: kernel.11.cloned.1.call-start
scs
__scs_entry_jumppad:
0x0: {  	(pc) =	sbr.rel $0x88, $3  }
0x1: {  	(tag) =	ssettag $0x0;
	lr =	simm.s32 $0x1  }
0x2: {  	[smem:$0x3F98] =	sst lr;
	_ =	strace $0xD0000000  }
0x3: {  	_ = 	snop  }
0x4: {  	_ = 	snop  }
0x5: {  	_ = 	snop  }
0x6: {  	_ = 	snop  }
0x7: {  	_ = 	snop  }
__scs_overlays_trampoline_lowered:
0x8: {  	[smem:$0x3FA7] =	sst s0  }
0x9: {  	[smem:$0x3FA8] =	sst s1  }
0xa: {  	[smem:$0x3FA9] =	sst s2  }
0xb: {  	[smem:$0x3FAA] =	sst s3  }
0xc: {  	[smem:$0x3FAB] =	sst s4  }
0xd: {  	[smem:$0x3FAC] =	sst s5  }
0xe: {  	[smem:$0x3FAD] =	sst s6  }
0xf: {  	[smem:$0x3FAE] =	sst s7  }
0x10: {  	[smem:$0x3FAF] =	sst s8  }
0x11: {  	[smem:$0x3FB0] =	sst s9;
	s0 =	simm.s32 @!p0 $0x0  }
0x12: {  	s1 =	sld [smem:$0x3F96];
	s0 =	simm.s32 @p0 $0x1  }
0x13: {  	[smem:$0x3FB1] =	sst s0;
	s0 =	simm.s32 @!p1 $0x0  }
0x14: {  	s2 =	sld [smem:$0x3F95];
	s0 =	simm.s32 @p1 $0x1  }
0x15: {  	[smem:$0x3FB2] =	sst s0;
	s0 =	simm.s32 @!p2 $0x0  }
0x16: {  	s3 =	sld [smem:$0x3FDB];
	s0 =	simm.s32 @p2 $0x1  }
0x17: {  	s4 =	simm.s32 $0x1BF5;
	[smem:$0x3FB4] =	sst s0  }
0x18: {  	s0 =	sld [smem:$0x3F97];
	_ =	swait.ge [sflag:s4], $0x0  }
0x19: {  	s7 =	sld [smem:$0x3F98]  }
0x1a: {  	s8 =	sadd.s32 $0xFFFFE003, lr  }
0x1b: {  	s9 =	sadd.s32 $0xFFFFFEF7, lr;
	s5 =	simm.s32 $0xFFFFFFFF;
	p2 =	slt.u32 s8, $0xFFFFF086  }
0x1c: {  	p1 =	slt.u32 s9, $0xF7A;
	s5 =	simm.s32 @!p2 $0x0  }
0x1d: {  	s5 =	simm.s32 @p1 $0x1;
	p0 =	seq.s32 s7, s2  }
0x1e: {  	s7 =	smul.u32 @!p0 $0xF7A, s2;
	p2 =	seq.s32 @!p0 s5, $0x0  }
0x1f: {  	s9 =	smul.u32 $0xF7A, s1;
	s8 =	simm.s32 @!p0 $0x1BF5;
	p2 =	por !p2, p0  }
0x20: {  	[sflag:s8] =	ssyncset.s32 @!p0 $0xFFFFF086;
	s6 =	sadd.s32 @!p0 s3, s7;
	s7 =	simm.s32 @!p0 $0x108  }
0x21: {  	s3 =	sadd.s32 s3, s9;
	s6 =	sadd.s32 @!p0 $0x88, s6;
	s7 =	simm.s32 @p2 $0x1082  }
0x22: {  	[simem:s7], [sflag:s8] =	dma.local @!p0 [hbm:s6], $0xF7A  }
0x23: {  	s9 =	sor.u32 $0xD0000000, s2;
	s6 =	simm.s32 $0x108;
	_ =	swait.ge @!p0 [sflag:s8], $0x0  }
0x24: {  	s3 =	sadd.s32 $0x88, s3;
	s6 =	simm.s32 @!p1 $0x1082;
	[sflag:s4] =	ssyncset.s32 $0xFFFFF086  }
0x25: {  	[simem:s6], [sflag:s4] =	dma.local [hbm:s3], $0xF7A  }
0x26: {  	[smem:$0x3F98] =	sst s1;
	(tag) =	ssettag s2;
	_ =	strace s9  }
0x27: {  	s1 =	sld [smem:$0x3FA8]  }
0x28: {  	s2 =	sld [smem:$0x3FA9]  }
0x29: {  	s4 =	sld [smem:$0x3FAB]  }
0x2a: {  	p0 =	seq.s32 s5, $0x0;
	s5 =	sld [smem:$0x3FAC]  }
0x2b: {  	s6 =	sld [smem:$0x3FAD]  }
0x2c: {  	s7 =	sld [smem:$0x3FAE]  }
0x2d: {  	s3 =	simm.s32 $0x108;
	s8 =	sld [smem:$0x3FAF]  }
0x2e: {  	s3 =	simm.s32 @!p0 $0x1082;
	s9 =	sld [smem:$0x3FB0]  }
0x2f: {  	lr =	sadd.s32 s0, s3;
	s0 =	sld [smem:$0x3FA7]  }
0x30: {  	s3 =	sld [smem:$0x3FAA]  }
0x31: {  	[smem:$0x3FB3] =	sst s10  }
0x32: {  	s10 =	sld [smem:$0x3FB1];
	_ =	sdelay $0x3  }
0x33: {  	p0 =	seq.s32 s10, $0x1;
	s10 =	sld [smem:$0x3FB3];
	_ =	sdelay $0x3  }
0x34: {  	[smem:$0x3FB3] =	sst s10  }
0x35: {  	s10 =	sld [smem:$0x3FB2];
	_ =	sdelay $0x3  }
0x36: {  	p1 =	seq.s32 s10, $0x1;
	s10 =	sld [smem:$0x3FB3];
	_ =	sdelay $0x3  }
0x37: {  	[smem:$0x3FB3] =	sst s10  }
0x38: {  	s10 =	sld [smem:$0x3FB4]  }
0x39: {  	_ = 	snop;
	(pc) =	sbr.ind lr, $3  }
0x3a: {  	_ = 	snop  }
0x3b: {  	_ = 	snop  }
0x3c: {  	p2 =	seq.s32 s10, $0x1;
	s10 =	sld [smem:$0x3FB3]  }
0x3d: {  	_ =	shalt  }
0x3e: {  	_ =	shalt  }
0x3f: {  	_ =	shalt  }
0x40: {  	_ =	shalt  }
0x41: {  	_ =	shalt  }
0x42: {  	_ =	shalt  }
0x43: {  	_ =	shalt  }
0x44: {  	_ =	shalt  }
0x45: {  	_ =	shalt  }
0x46: {  	_ =	shalt  }
0x47: {  	_ =	shalt  }
0x48: {  	_ =	shalt  }
0x49: {  	_ =	shalt  }
0x4a: {  	_ =	shalt  }
0x4b: {  	_ =	shalt  }
0x4c: {  	_ =	shalt  }
0x4d: {  	_ =	shalt  }
0x4e: {  	_ =	shalt  }
0x4f: {  	_ =	shalt  }
0x50: {  	_ =	shalt  }
0x51: {  	_ =	shalt  }
0x52: {  	_ =	shalt  }
0x53: {  	_ =	shalt  }
0x54: {  	_ =	shalt  }
0x55: {  	_ =	shalt  }
0x56: {  	_ =	shalt  }
0x57: {  	_ =	shalt  }
0x58: {  	_ =	shalt  }
0x59: {  	_ =	shalt  }
0x5a: {  	_ =	shalt  }
0x5b: {  	_ =	shalt  }
0x5c: {  	_ =	shalt  }
0x5d: {  	_ =	shalt  }
0x5e: {  	_ =	shalt  }
0x5f: {  	_ =	shalt  }
0x60: {  	_ =	shalt  }
0x61: {  	_ =	shalt  }
0x62: {  	_ =	shalt  }
0x63: {  	_ =	shalt  }
0x64: {  	_ =	shalt  }
0x65: {  	_ =	shalt  }
0x66: {  	_ =	shalt  }
0x67: {  	_ =	shalt  }
0x68: {  	_ =	shalt  }
0x69: {  	_ =	shalt  }
0x6a: {  	_ =	shalt  }
0x6b: {  	_ =	shalt  }
0x6c: {  	_ =	shalt  }
0x6d: {  	_ =	shalt  }
0x6e: {  	_ =	shalt  }
0x6f: {  	_ =	shalt  }
0x70: {  	_ =	shalt  }
0x71: {  	_ =	shalt  }
0x72: {  	_ =	shalt  }
0x73: {  	_ =	shalt  }
0x74: {  	_ =	shalt  }
0x75: {  	_ =	shalt  }
0x76: {  	_ =	shalt  }
0x77: {  	_ =	shalt  }
0x78: {  	_ =	shalt  }
0x79: {  	_ =	shalt  }
0x7a: {  	_ =	shalt  }
0x7b: {  	_ =	shalt  }
0x7c: {  	_ =	shalt  }
0x7d: {  	_ =	shalt  }
0x7e: {  	_ =	shalt  }
0x7f: {  	_ =	shalt  }
0x80: {  	_ =	shalt  }
0x81: {  	_ =	shalt  }
0x82: {  	_ =	shalt  }
0x83: {  	_ =	shalt  }
0x84: {  	_ =	shalt  }
0x85: {  	_ =	shalt  }
0x86: {  	_ =	shalt  }
0x87: {  	_ =	shalt  }
.Lfunc_end0:
.L_simem_size_0:
called_computation.1_lowered:
.L_overlay_start_0:
0x88: {  	s2 =	sld [smem:$0x3FD9]  }
0x89: {  	s3 =	sld [smem:$0x3FFE];
	_ =	sdelay $0x1  }
0x8a: {  	s1 =	srdreg.scid  }
0x8b: {  	s0 =	sand.u32 $0x1, s1  }
0x8c: {  	s17 =	sshll.u32 s0, $0xA;
	s2 =	sadd.s32 s3, s2  }
0x8d: {  	s2 =	sadd.s32 s2, s17  }
0x8e: {  	[smem:$0x3FBF] =	sst s2  }
0x8f: {  	_ = 	snop  }
0x90: {  	s2 =	sld [smem:$0x3FD0];
	(tm) =	ssettm $0x1  }
0x91: {  	s18 =	sld [smem:$0x3FFB];
	_ =	sdelay $0x3  }
0x92: {  	_ =	strace s18  }
0x93: {  	s3 =	sld [smem:$0x3FFC];
	_ =	sdelay $0x3  }
0x94: {  	_ =	strace s3  }
0x95: {  	s3 =	sld [smem:$0x3FFD];
	_ =	sdelay $0x3  }
0x96: {  	_ =	strace s3  }
0x97: {  	_ =	strace $0x8FFFFFFF  }
0x98: {  	s19 =	sld [smem:$0x3FDB];
	_ =	sdelay $0x1  }
0x99: {  	s4 =	simm.s32 $_scs_section_size  }
0x9a: {  	s5 =	simm.s32 $_size__tile_overlayer_lowered;
	s6 =	simm.s32 $_tile_overlayer_lowered  }
0x9b: {  	s22 =	simm.s32 $0x1BFF;
	s21 =	sshll.u32 s6, $0x1;
	s3 =	sadd.s32 s4, s19  }
0x9c: {  	s7 =	simm.s32 $0x0;
	s20 =	sshll.u32 s5, $0x1;
	s5 =	sadd.s32 s21, s3  }
0x9d: {  	[timem:s7], [sflag:s22] =	dma.local [hbm:s5], s20  }
0x9e: {  	_ =	swait.ge [sflag:s22], s20  }
0x9f: {  	s4 =	ssub.s32 $0x0, s20;
	[sflag:s22] =	ssyncset.done $0x0  }
0xa0: {  	[sflag:s22] =	ssyncadd.s32 s4;
	_ =	sdelay $0x1  }
0xa1: {  	s23 =	simm.s32 $0x1B8B  }
0xa2: {  	_ =	swait.ge [sflag:s23], $0x1  }
0xa3: {  	[sflag:s23] =	ssyncset.done $0x0  }
0xa4: {  	s25 =	simm.s32 $0x1B8E;
	s24 =	sld [smem:$0x3FFE];
	[sflag:s23] =	ssyncadd.s32 $0xFFFFFFFF  }
0xa5: {  	s26 =	simm.s32 $execute0_lowered;
	[smem:$0x3FD2] =	sst s25  }
0xa6: {  	s5 =	sshll.u32 s26, $0x1;
	_ =	strace $0x80000049;
	[dreg:$0x1] =	wrdreg $0xFFFFFFFF  }
0xa7: {  	s28 =	simm.s32 $_size_execute0_lowered;
	s3 =	sadd.s32 s3, s5;
	[dreg:$0x0] =	wrdreg $0x0  }
0xa8: {  	s5 =	sshll.u32 s28, $0x1;
	[dreg:$0x2] =	wrdreg s3  }
0xa9: {  	[dreg:$0x3] =	wrdreg s5  }
0xaa: {  	[dreg:$0x4] =	wrdreg $0xC0  }
0xab: {  	_ =	task [dreg:s7], $0x5FFFF  }
0xac: {  	[dreg:$0x1] =	wrdreg $0xFFFFFFFF  }
0xad: {  	[dreg:$0x0] =	wrdreg $0x60  }
0xae: {  	[dreg:$0x2] =	wrdreg s2  }
0xaf: {  	[dreg:$0x3] =	wrdreg s24  }
0xb0: {  	[dreg:$0x4] =	wrdreg $0x120000  }
0xb1: {  	[dreg:$0x5] =	wrdreg $0x9  }
0xb2: {  	_ =	task.clear_ibuf [dreg:s7], $0x6FFFF;
	_ =	strace $0x90000049  }
0xb3: {  	s29 =	simm.s32 $0x9;
	_ =	strace $0x8000004B  }
0xb4: {  	_ =	swait.ge [sflag:s29], $0x1  }
0xb5: {  	[sflag:s29] =	ssyncadd.s32 $0xFFFFFFFF  }
0xb6: {  	_ =	strace $0x9000004B  }
0xb7: {  	_ =	sfence  }
0xb8: {  	s30 =	sld [smem:$0x0];
	_ =	sdelay $0x2  }
0xb9: {  	s31 =	sshll.u32 s1, $0xD;
	s1 =	sshrl.u32 s1, $0x2  }
0xba: {  	s3 =	sand.u32 $0x4000, s31;
	s1 =	sadd.s32 s1, s30  }
0xbb: {  	s0 =	sor.u32 s3, s0;
	s1 =	sshll.u32 s1, $0x11  }
0xbc: {  	s0 =	sor.u32 s1, s0  }
0xbd: {  	s0 =	sadd.s32 $0x8F2B, s0  }
0xbe: {  	[sflag:s0] =	ssyncadd.remote.s32 $0x1  }
0xbf: {  	_ =	sfence.sel $0xFFFF  }
0xc0: {  	[dreg:$0x0] =	wrdreg $0xFFFFFFFF;
	(pc) =	sbr.abs _section_cstart, $3  }
0xc1: {  	[dreg:$0x1] =	wrdreg $0xFFFFFFFF  }
0xc2: {  	_ =	task.clear_ibuf [dreg:s7], $0x2FFFF;
	_ =	strace $0x9FFFFFFF  }
0xc3: {  	(tm) =	ssettm $0x7FFFFFFF  }
tec
execute0_lowered:
.L_overlay_start_1:
0x0: {  	(tag) =	ssettag $0x1  }
0x1: {  	s0 =	rddreg [dreg:$0x0]  }
0x2: {  	s5 =	rddreg [dreg:$0x1];
	s1 =	srdreg.scid  }
0x3: {  	s3 =	rddreg [dreg:$0x2];
	s2 =	stileid.u32;
	s4 =	simm.s32 $0x0  }
0x4: {  	s11 =	simm.s32 $0x5000;
	s13 =	simm.s32 $0x3;
	s14 =	simm.s32 $0x2  }
0x5: {  	s16 =	simm.s32 $0x80;
	s17 =	simm.s32 $0x0;
	s8 =	smul.u32 $0xA000, s2  }
0x6: {  	s6 =	sand.u32 $0x1, s1;
	s1 =	rddreg [dreg:$0x3];
	s9 =	smul.u32 $0xA00, s2  }
0x7: {  	[smem:$0x7FF] =	sst s4;
	s10 =	smul.u32 $0x28000, s2;
	s30 =	sshll.u32 s2, $0xE  }
0x8: {  	s7 =	smul.u32 $0xA0000, s6;
	_ =	strace $0x8000004A;
	s28 =	ssub.s32 $0x2, s6  }
0x9: {  	s15 =	smul.u32 $0xFFFFEC78, s6;
	s12 =	sadd.s32 $0x4E20000, s30;
	s26 =	sadd.s32 s9, s5  }
.Ltmp0:
0xa: {  	s29 =	sshrl.u32 s28, $0x1;
	s7 =	sadd.s32 s8, s7;
	(pc) =	sbr.rel .LBB2_1-.Ltmp0, $4  }
0xb: {  	s31 =	sshrl.u32 s10, $0x2;
	v0 =	vmov s12;
	s12 =	simm.s32 $0xA000;
	s7 =	sshrl.u32 s7, $0x3  }
0xc: {  	s9 =	ssub.s32 s28, s29;
	v1 =	vmov s15;
	s15 =	simm.s32 $0x1;
	s7 =	sadd.s32 s7, s5  }
0xd: {  	s8 =	smax.u32 s9, $0x1;
	s6 =	sadd.s32 $0xC200, s7;
	s7 =	sadd.s32 s31, s3  }
0xe: {  	v2 =	vimm.f32 $0.0e+00;
	v3 =	vimm.s32 $0x0;
	s5 =	sadd.s32 $0x2200, s26;
	s9 =	sadd.s32 $0x4000, s7;
	s10 =	sadd.s32 $0x6000, s7  }
.LBB2_12:
0xf: {  	[sflag:s13] =	ssyncadd.s32 $0xFFFFC000  }
.LBB2_13:
0x10: {  	s17 =	sadd.s32 $0x1, s17  }
0x11: {  	s18 =	sshll.u32 s2, $0x6;
	[bflag:$0x0] =	sbarrier.arrive $0xFFFF;
	p0 =	sne.s32 s17, s8  }
.Ltmp1:
0x12: {  	s19 =	sshrl.u32 s7, $0x3;
	s18 =	sor.u32 $0x1C03, s18;
	(pc) =	sbr.rel @!p0 .LBB2_14-.Ltmp1, $4  }
0x13: {  	[hbm:s6], [sflag:s18] =	dma.local [spmem:s19], $0x1400  }
0x14: {  	_ =	swait.ge [sflag:s13], $0x1400  }
0x15: {  	[sflag:s13] =	ssyncset.done $0x0  }
0x16: {  	[sflag:s13] =	ssyncadd.s32 $0xFFFFEC00  }
.LBB2_1:
0x17: {  	[tilespmem:s11], [sflag:$0x2] =	stream.linear.gather [hbm4b:s5+s4], $0x5000, $0x38;
	[tilespmem:$0x1C000] =	vst v63  }
0x18: {  	s18 =	simm.s32 $0x0;
	s19 =	simm.s32 $0x200  }
.LBB2_2:
0x19: {  	p0 =	sne.s32 s19, $0xFE00;
	[tilespmem:s18+$0xA070] =	vst v2  }
0x1a: {  	[tilespmem:s18+$0xA000] =	vst v2  }
0x1b: {  	[tilespmem:s18+$0xA010] =	vst v2  }
.Ltmp2:
0x1c: {  	[tilespmem:s18+$0xA020] =	vst v2;
	(pc) =	sbr.rel @p0 .LBB2_2-.Ltmp2, $4  }
0x1d: {  	[tilespmem:s18+$0xA030] =	vst v2  }
0x1e: {  	[tilespmem:s18+$0xA040] =	vst v2  }
0x1f: {  	[tilespmem:s18+$0xA050] =	vst v2  }
0x20: {  	[tilespmem:s18+$0xA060] =	vst v2;
	s18 =	sshra.s32 s19, $0x2;
	s19 =	sadd.s32 $0x200, s19  }
0x21: {  	[tilespmem:s18+$0xA070] =	vst v2  }
0x22: {  	[tilespmem:s18+$0xA000] =	vst v2  }
0x23: {  	[tilespmem:s18+$0xA010] =	vst v2  }
0x24: {  	[tilespmem:s18+$0xA020] =	vst v2  }
0x25: {  	[tilespmem:s18+$0xA030] =	vst v2  }
0x26: {  	[tilespmem:s18+$0xA040] =	vst v2  }
0x27: {  	[tilespmem:s18+$0xA050] =	vst v2  }
0x28: {  	[tilespmem:s18+$0xA060] =	vst v2  }
0x29: {  	[spmem:s7] =	stream.linear.scatter [tilespmem:s12], [sflag:$0x3], $0x4000, $0x38;
	[tilespmem:$0x1C000] =	vst v63  }
0x2a: {  	_ =	swait.ge [sflag:s13], $0x4000  }
0x2b: {  	[sflag:s13] =	ssyncset.done $0x0  }
0x2c: {  	[sflag:s13] =	ssyncadd.s32 $0xFFFFC000  }
0x2d: {  	[spmem:s9] =	stream.linear.scatter [tilespmem:s12], [sflag:$0x3], $0x4000, $0x38;
	[tilespmem:$0x1C000] =	vst v63  }
0x2e: {  	_ =	swait.ge [sflag:s13], $0x4000  }
0x2f: {  	[sflag:s13] =	ssyncset.done $0x0  }
0x30: {  	[sflag:s13] =	ssyncadd.s32 $0xFFFFC000  }
0x31: {  	[spmem:s10] =	stream.linear.scatter [tilespmem:s12], [sflag:$0x3], $0x4000, $0x38;
	[tilespmem:$0x1C000] =	vst v63  }
0x32: {  	_ =	swait.ge [sflag:s13], $0x4000  }
0x33: {  	[sflag:s13] =	ssyncset.done $0x0  }
0x34: {  	s18 =	simm.s32 $0x40;
	s19 =	simm.s32 $0x0;
	[sflag:s13] =	ssyncadd.s32 $0xFFFFC000  }
.LBB2_4:
0x35: {  	p0 =	sne.s32 s18, $0x13FC0;
	[tilespmem:s19+$0x0] =	vst v0;
	s19 =	smov.u32 s18;
	s18 =	sadd.s32 $0x40, s18  }
.Ltmp3:
0x36: {  	(pc) =	sbr.rel @p0 .LBB2_4-.Ltmp3, $2  }
0x37: {  	_ =	sdelay $0x2  }
0x38: {  	s19 =	sshra.s32 s19, $0x2  }
0x39: {  	[tilespmem:s19+$0x0] =	vst v0;
	s18 =	simm.s32 $0x0  }
0x3a: {  	_ =	swait.ge [sflag:s14], $0x5000;
	s28 =	sand.u32 $0x1FE00, s18  }
0x3b: {  	s20 =	sand.u32 $0x70, s18;
	[sflag:s14] =	ssyncset.done $0x0;
	s19 =	sshrl.u32 s28, $0x2  }
0x3c: {  	[sflag:s14] =	ssyncadd.s32 $0xFFFFB000;
	s19 =	sor.u32 s20, s19  }
0x3d: {  	v4 =	vld [tilespmem:s19+$0x5000];
	_ =	sdelay $0x4  }
0x3e: {  	v5 =	vshra.s32 v4, $0xE  }
0x3f: {  	v5 =	vadd.s32 v1, v5  }
0x40: {  	vm0 =	vlt.u32 v5, $0x1388  }
0x41: {  	v6 =	vsel vm0, $0x1, v3  }
0x42: {  	(xrf0) =	vadd.scan.msk.s32 $0xffff, v6;
	_ =	sdelay $0x3  }
0x43: {  	s29 =	simm.s32 $0x40  }
0x44: {  	s30 =	simm.s32 $0x10;
	s19 =	sand.u32 $0x1FE00, s29;
	v4 =	vand.u32 $0x3FFF, v4;
	v5 =	vshll.u32 v5, $0xE  }
0x45: {  	s20 =	sand.u32 $0x70, s30;
	s19 =	sshrl.u32 s19, $0x2;
	v4 =	vor.u32 v4, v5;
	v6, _, _ =	vpop (xrf0)  }
0x46: {  	s19 =	sor.u32 s20, s19;
	[tilespmem:s18+$0x0] =	vst.msk vm0, v4;
	(v2sf) =	vpush v6, $0xF  }
0x47: {  	v4 =	vld [tilespmem:s19+$0x5000];
	_ =	sdelay $0x4  }
0x48: {  	v5 =	vshra.s32 v4, $0xE  }
0x49: {  	v5 =	vadd.s32 v1, v5  }
0x4a: {  	vm0 =	vlt.u32 v5, $0x1388  }
0x4b: {  	v6 =	vsel vm0, $0x1, v3  }
0x4c: {  	(xrf0) =	vadd.scan.msk.s32 $0xffff, v6;
	_ =	sdelay $0x2  }
0x4d: {  	s31 =	simm.s32 $0x80  }
0x4e: {  	s21 =	sand.u32 $0x1FE00, s31;
	s19 =	simm.s32 $0x20  }
0x4f: {  	s20 =	simm.s32 $0xC0;
	s22 =	sand.u32 $0x70, s19;
	v4 =	vand.u32 $0x3FFF, v4;
	v5 =	vshll.u32 v5, $0xE;
	s23 =	spop (v2sf)  }
.LBB2_6:
0x50: {  	p0 =	sne.s32 s20, $0x13FC0;
	s21 =	sshrl.u32 s21, $0x2;
	v4 =	vor.u32 v4, v5;
	v5, _, _ =	vpop (xrf0);
	s18 =	sadd.s32 s18, s23  }
0x51: {  	s21 =	sor.u32 s22, s21;
	[tilespmem:s18+$0x0] =	vst.msk vm0, v4;
	(v2sf) =	vpush v5, $0xF  }
0x52: {  	v4 =	vld [tilespmem:s21+$0x5000];
	_ =	sdelay $0x4  }
0x53: {  	v5 =	vshra.s32 v4, $0xE;
	v4 =	vand.u32 $0x3FFF, v4  }
0x54: {  	v5 =	vadd.s32 v1, v5  }
0x55: {  	vm0 =	vlt.u32 v5, $0x1388;
	v5 =	vshll.u32 v5, $0xE  }
0x56: {  	v6 =	vsel vm0, $0x1, v3  }
0x57: {  	(xrf0) =	vadd.scan.msk.s32 $0xffff, v6  }
.Ltmp4:
0x58: {  	(pc) =	sbr.rel @p0 .LBB2_6-.Ltmp4, $3  }
0x59: {  	_ =	sdelay $0x1  }
0x5a: {  	s19 =	sadd.s32 $0x10, s19;
	s21 =	sand.u32 $0x1FE00, s20  }
0x5b: {  	s22 =	sand.u32 $0x70, s19;
	s20 =	sadd.s32 $0x40, s20;
	s23 =	spop (v2sf)  }
0x5c: {  	s19 =	sshrl.u32 s21, $0x2;
	v4 =	vor.u32 v4, v5;
	s18 =	sadd.s32 s18, s23  }
0x5d: {  	s19 =	sor.u32 s22, s19;
	[tilespmem:s18+$0x0] =	vst.msk vm0, v4  }
0x5e: {  	v4 =	vld [tilespmem:s19+$0x5000];
	_ =	sdelay $0x4  }
0x5f: {  	v5 =	vshra.s32 v4, $0xE  }
0x60: {  	v5 =	vadd.s32 v1, v5  }
0x61: {  	v6, _, _ =	vpop (xrf0);
	vm15 =	vlt.u32 v5, $0x1388  }
0x62: {  	(v2sf) =	vpush v6, $0xF;
	v6 =	vsel vm15, $0x1, v3  }
0x63: {  	(xrf0) =	vadd.scan.msk.s32 $0xffff, v6;
	_ =	sdelay $0x5  }
0x64: {  	v6, _, _ =	vpop (xrf0)  }
0x65: {  	(v2sf) =	vpush v6, $0xF;
	_ =	sdelay $0x6  }
0x66: {  	v4 =	vand.u32 $0x3FFF, v4;
	v5 =	vshll.u32 v5, $0xE;
	s31 =	spop (v2sf)  }
0x67: {  	v4 =	vor.u32 v4, v5;
	s19 =	sadd.s32 s18, s31  }
0x68: {  	s18 =	simm.s32 $0x0;
	[tilespmem:s19+$0x0] =	vst.msk vm15, v4  }
0x69: {  	v6 =	vld [tilespmem:s18+$0x0]  }
0x6a: {  	v7 =	vld [tilespmem:s18+$0x10]  }
0x6b: {  	v10 =	vld [tilespmem:s18+$0x20]  }
0x6c: {  	v8 =	vld [tilespmem:s18+$0x30]  }
0x6d: {  	v5 =	vld [tilespmem:s18+$0x40]  }
0x6e: {  	v4 =	vld [tilespmem:s18+$0x50];
	v9 =	vand.u32 $0x3FFF, v6;
	s20 =	spop (v2sf)  }
0x6f: {  	v6 =	vshra.s32 v6, $0xE;
	v11 =	vand.u32 $0x3FFF, v7;
	[tilespmem:s18+$0x0] =	vst v9;
	v9 =	vshra.s32 v7, $0xE;
	v7 =	vld [tilespmem:s18+$0x60];
	s19 =	sadd.s32 s19, s20;
	s20 =	simm.s32 $0x200  }
.LBB2_8:
0x70: {  	p0 =	sne.s32 s20, $0x13E00;
	[tilespmem:s18+$0x10] =	vst v11;
	v11 =	vshra.s32 v10, $0xE;
	v10 =	vand.u32 $0x3FFF, v10;
	v12 =	vld [tilespmem:s18+$0x70]  }
0x71: {  	[tilespmem:s18+$0x20] =	vst v10;
	v10 =	vshra.s32 v8, $0xE;
	v8 =	vand.u32 $0x3FFF, v8  }
0x72: {  	[tilespmem:s18+$0x30] =	vst v8;
	v8 =	vshra.s32 v5, $0xE;
	v5 =	vand.u32 $0x3FFF, v5  }
0x73: {  	[tilespmem:s18+$0x40] =	vst v5;
	v5 =	vshra.s32 v4, $0xE;
	v4 =	vand.u32 $0x3FFF, v4  }
0x74: {  	[tilespmem:s18+$0x50] =	vst v4;
	v4 =	vshra.s32 v7, $0xE;
	v7 =	vand.u32 $0x3FFF, v7  }
0x75: {  	[tilespmem:s18+$0x60] =	vst v7;
	v7 =	vshra.s32 v12, $0xE;
	v12 =	vand.u32 $0x3FFF, v12  }
0x76: {  	[tilespmem:s18+$0x70] =	vst v12  }
0x77: {  	[tilespmem:s18+$0x5000] =	vst v6  }
0x78: {  	s21 =	sshra.s32 s20, $0x2;
	[tilespmem:s18+$0x5010] =	vst v9  }
0x79: {  	v9 =	vld [tilespmem:s21+$0x0];
	[tilespmem:s18+$0x5020] =	vst v11  }
0x7a: {  	v11 =	vld [tilespmem:s21+$0x10];
	[tilespmem:s18+$0x5030] =	vst v10  }
.Ltmp5:
0x7b: {  	v10 =	vld [tilespmem:s21+$0x20];
	[tilespmem:s18+$0x5040] =	vst v8;
	(pc) =	sbr.rel @p0 .LBB2_8-.Ltmp5, $4  }
0x7c: {  	v8 =	vld [tilespmem:s21+$0x30];
	[tilespmem:s18+$0x5050] =	vst v5  }
0x7d: {  	v5 =	vld [tilespmem:s21+$0x40];
	[tilespmem:s18+$0x5060] =	vst v4  }
0x7e: {  	v6 =	vshra.s32 v9, $0xE;
	v9 =	vand.u32 $0x3FFF, v9;
	v4 =	vld [tilespmem:s21+$0x50];
	[tilespmem:s18+$0x5070] =	vst v7;
	s18 =	smov.u32 s21  }
0x7f: {  	s20 =	sadd.s32 $0x200, s20;
	[tilespmem:s18+$0x0] =	vst v9;
	v9 =	vshra.s32 v11, $0xE;
	v11 =	vand.u32 $0x3FFF, v11;
	v7 =	vld [tilespmem:s18+$0x60]  }
0x80: {  	[tilespmem:s18+$0x10] =	vst v11  }
0x81: {  	[tilespmem:s18+$0x5000] =	vst v6  }
0x82: {  	v56 =	vand.u32 $0x3FFF, v10;
	[tilespmem:s18+$0x5010] =	vst v9  }
0x83: {  	v62 =	vshra.s32 v10, $0xE;
	[tilespmem:s18+$0x20] =	vst v56  }
0x84: {  	s19 =	sadd.s32 $0x7F, s19;
	v57 =	vand.u32 $0x3FFF, v8;
	[tilespmem:s18+$0x5020] =	vst v62  }
0x85: {  	s20 =	sand.u32 $0x7F, s19;
	v63 =	vshra.s32 v8, $0xE;
	[tilespmem:s18+$0x30] =	vst v57  }
0x86: {  	s31 =	sshra.s32 s19, $0x1F;
	p1 =	slt.s32 s19, $0x1;
	v58 =	vand.u32 $0x3FFF, v5;
	p0 =	sne.s32 s20, $0x0;
	[tilespmem:s18+$0x5030] =	vst v63  }
0x87: {  	v12 =	vld [tilespmem:s18+$0x70];
	v5 =	vshra.s32 v5, $0xE;
	s20 =	sshrl.u32 s31, $0x19;
	[tilespmem:s18+$0x40] =	vst v58;
	p0 =	por !p1, !p0  }
0x88: {  	v59 =	vand.u32 $0x3FFF, v4;
	[tilespmem:s18+$0x5040] =	vst v5;
	s19 =	sadd.s32 s20, s19;
	s20 =	simm.s32 $0x1;
	p0 =	por !p0, !p0  }
0x89: {  	v4 =	vshra.s32 v4, $0xE;
	[tilespmem:s18+$0x50] =	vst v59;
	s19 =	sshra.s32 s19, $0x7;
	s20 =	simm.s32 @!p0 $0x0  }
0x8a: {  	v60 =	vand.u32 $0x3FFF, v7;
	[tilespmem:s18+$0x5050] =	vst v4;
	s20 =	ssub.s32 s19, s20  }
0x8b: {  	v5 =	vshra.s32 v7, $0xE;
	[tilespmem:s18+$0x60] =	vst v60;
	p0 =	slt.s32 s20, $0x1  }
.Ltmp6:
0x8c: {  	v61 =	vand.u32 $0x3FFF, v12;
	[tilespmem:s18+$0x5060] =	vst v5;
	(pc) =	sbr.rel @p0 .LBB2_13-.Ltmp6, $3  }
0x8d: {  	v4 =	vshra.s32 v12, $0xE;
	[tilespmem:s18+$0x70] =	vst v61  }
0x8e: {  	[tilespmem:s18+$0x5070] =	vst v4  }
0x8f: {  	[bflag:$0x0] =	sbarrier.arrive $0xFFFF;
	_ =	sdelay $0x1  }
0x90: {  	s18 =	simm.s32 $0x0  }
0x91: {  	[tilespmem:s12], [sflag:$0x1] =	stream.indirect.gather [hbm4b:s0+s16], $0x80, s18, s16, $0xb8;
	[tilespmem:$0x1C000] =	vst v63  }
0x92: {  	p0 =	sne.s32 s20, $0x1;
	_ =	swait.ge [sflag:s15], $0x4000  }
.Ltmp7:
0x93: {  	[sflag:s15] =	ssyncset.done $0x0;
	(pc) =	sbr.rel @!p0 .LBB2_12-.Ltmp7, $4  }
0x94: {  	s19 =	simm.s32 $0x5000;
	[sflag:s15] =	ssyncadd.s32 $0xFFFFC000  }
0x95: {  	[spmem:s3] =	stream.indirect.scatter.add.f32 [tilespmem:s12], [sflag:$0x3], $0x80, s19, s16, $0xb8;
	[tilespmem:$0x1C000] =	vst v63  }
0x96: {  	_ =	swait.ge [sflag:s13], $0x4000  }
0x97: {  	s20 =	sadd.s32 $0xFFFFFFFF, s20;
	[sflag:s13] =	ssyncset.done $0x0  }
.LBB2_11:
0x98: {  	[sflag:s13] =	ssyncadd.s32 $0xFFFFC000;
	s19 =	sadd.s32 $0x80, s19;
	s18 =	sadd.s32 $0x80, s18  }
0x99: {  	[tilespmem:s12], [sflag:$0x1] =	stream.indirect.gather [hbm4b:s0+s16], $0x80, s18, s16, $0xb8;
	[tilespmem:$0x1C000] =	vst v63  }
0x9a: {  	p0 =	sne.s32 s20, $0x1;
	s20 =	sadd.s32 $0xFFFFFFFF, s20;
	_ =	swait.ge [sflag:s15], $0x4000  }
.Ltmp8:
0x9b: {  	[sflag:s15] =	ssyncset.done $0x0;
	(pc) =	sbr.rel @p0 .LBB2_11-.Ltmp8, $4  }
0x9c: {  	[sflag:s15] =	ssyncadd.s32 $0xFFFFC000  }
0x9d: {  	[spmem:s3] =	stream.indirect.scatter.add.f32 [tilespmem:s12], [sflag:$0x3], $0x80, s19, s16, $0xb8;
	[tilespmem:$0x1C000] =	vst v63  }
0x9e: {  	_ =	swait.ge [sflag:s13], $0x4000  }
0x9f: {  	[sflag:s13] =	ssyncset.done $0x0  }
.Ltmp9:
0xa0: {  	_ = 	snop;
	(pc) =	sbr.rel .LBB2_12-.Ltmp9, $1  }
0xa1: {  	_ =	sdelay $0x3  }
.LBB2_14:
0xa2: {  	_ =	sfence.sel $0x180000  }
0xa3: {  	[bflag:$0x0] =	sbarrier.arrive $0xFFFF  }
0xa4: {  	p0 =	sne.s32 s2, $0x0;
	_ =	strace $0x9000004A  }
0xa5: {  	s0 =	sadd.s32 @!p0 $0x100000, s1;
	[bflag:$0x2] =	sbarrier.arrive $0xFFFF  }
0xa6: {  	[sflag:s0] =	ssyncadd.tile.s32 @!p0 $0x1;
	_ =	shalt  }
.Lfunc_end2:
_tile_overlayer_lowered:
.L_overlay_start_2:
0xa7: {  	(tag) =	ssettag $0x2  }
0xa8: {  	s0 =	rddreg [dreg:$0x0];
	s2 =	stileid.u32  }
0xa9: {  	s1 =	rddreg [dreg:$0x1];
	p0 =	sne.s32 s2, $0x0  }
0xaa: {  	s3 =	rddreg [dreg:$0x2];
	[bflag:$0x3] =	sbarrier.arrive $0xFFFF;
	s2 =	simm.s32 @!p0 $0x1C03  }
0xab: {  	[timem:s3], [sflag:s2] =	dma.local @!p0 [hbm:s0], s1  }
0xac: {  	s0 =	simm.s32 @!p0 $0x3  }
0xad: {  	_ =	swait.ge @!p0 [sflag:s0], s1  }
0xae: {  	s1 =	ssub.s32 @!p0 $0x0, s1;
	[sflag:s0] =	ssyncset.done @!p0 $0x0  }
0xaf: {  	[sflag:s0] =	ssyncadd.s32 @!p0 s1  }
0xb0: {  	[bflag:$0x3] =	sbarrier.arrive $0xFFFF  }
0xb1: {  	_ =	shalt  }

// kernel: kernel.8.cloned.1.call-start
scs
__scs_entry_jumppad:
0x0: {  	(pc) =	sbr.rel $0x88, $3  }
0x1: {  	(tag) =	ssettag $0x0;
	lr =	simm.s32 $0x1  }
0x2: {  	[smem:$0x3F98] =	sst lr;
	_ =	strace $0xD0000000  }
0x3: {  	_ = 	snop  }
0x4: {  	_ = 	snop  }
0x5: {  	_ = 	snop  }
0x6: {  	_ = 	snop  }
0x7: {  	_ = 	snop  }
__scs_overlays_trampoline_lowered:
0x8: {  	[smem:$0x3FA7] =	sst s0  }
0x9: {  	[smem:$0x3FA8] =	sst s1  }
0xa: {  	[smem:$0x3FA9] =	sst s2  }
0xb: {  	[smem:$0x3FAA] =	sst s3  }
0xc: {  	[smem:$0x3FAB] =	sst s4  }
0xd: {  	[smem:$0x3FAC] =	sst s5  }
0xe: {  	[smem:$0x3FAD] =	sst s6  }
0xf: {  	[smem:$0x3FAE] =	sst s7  }
0x10: {  	[smem:$0x3FAF] =	sst s8  }
0x11: {  	[smem:$0x3FB0] =	sst s9;
	s0 =	simm.s32 @!p0 $0x0  }
0x12: {  	s1 =	sld [smem:$0x3F96];
	s0 =	simm.s32 @p0 $0x1  }
0x13: {  	[smem:$0x3FB1] =	sst s0;
	s0 =	simm.s32 @!p1 $0x0  }
0x14: {  	s2 =	sld [smem:$0x3F95];
	s0 =	simm.s32 @p1 $0x1  }
0x15: {  	[smem:$0x3FB2] =	sst s0;
	s0 =	simm.s32 @!p2 $0x0  }
0x16: {  	s3 =	sld [smem:$0x3FDB];
	s0 =	simm.s32 @p2 $0x1  }
0x17: {  	s4 =	simm.s32 $0x1BF5;
	[smem:$0x3FB4] =	sst s0  }
0x18: {  	s0 =	sld [smem:$0x3F97];
	_ =	swait.ge [sflag:s4], $0x0  }
0x19: {  	s7 =	sld [smem:$0x3F98]  }
0x1a: {  	s8 =	sadd.s32 $0xFFFFE003, lr  }
0x1b: {  	s9 =	sadd.s32 $0xFFFFFEF7, lr;
	s5 =	simm.s32 $0xFFFFFFFF;
	p2 =	slt.u32 s8, $0xFFFFF086  }
0x1c: {  	p1 =	slt.u32 s9, $0xF7A;
	s5 =	simm.s32 @!p2 $0x0  }
0x1d: {  	s5 =	simm.s32 @p1 $0x1;
	p0 =	seq.s32 s7, s2  }
0x1e: {  	s7 =	smul.u32 @!p0 $0xF7A, s2;
	p2 =	seq.s32 @!p0 s5, $0x0  }
0x1f: {  	s9 =	smul.u32 $0xF7A, s1;
	s8 =	simm.s32 @!p0 $0x1BF5;
	p2 =	por !p2, p0  }
0x20: {  	[sflag:s8] =	ssyncset.s32 @!p0 $0xFFFFF086;
	s6 =	sadd.s32 @!p0 s3, s7;
	s7 =	simm.s32 @!p0 $0x108  }
0x21: {  	s3 =	sadd.s32 s3, s9;
	s6 =	sadd.s32 @!p0 $0x88, s6;
	s7 =	simm.s32 @p2 $0x1082  }
0x22: {  	[simem:s7], [sflag:s8] =	dma.local @!p0 [hbm:s6], $0xF7A  }
0x23: {  	s9 =	sor.u32 $0xD0000000, s2;
	s6 =	simm.s32 $0x108;
	_ =	swait.ge @!p0 [sflag:s8], $0x0  }
0x24: {  	s3 =	sadd.s32 $0x88, s3;
	s6 =	simm.s32 @!p1 $0x1082;
	[sflag:s4] =	ssyncset.s32 $0xFFFFF086  }
0x25: {  	[simem:s6], [sflag:s4] =	dma.local [hbm:s3], $0xF7A  }
0x26: {  	[smem:$0x3F98] =	sst s1;
	(tag) =	ssettag s2;
	_ =	strace s9  }
0x27: {  	s1 =	sld [smem:$0x3FA8]  }
0x28: {  	s2 =	sld [smem:$0x3FA9]  }
0x29: {  	s4 =	sld [smem:$0x3FAB]  }
0x2a: {  	p0 =	seq.s32 s5, $0x0;
	s5 =	sld [smem:$0x3FAC]  }
0x2b: {  	s6 =	sld [smem:$0x3FAD]  }
0x2c: {  	s7 =	sld [smem:$0x3FAE]  }
0x2d: {  	s3 =	simm.s32 $0x108;
	s8 =	sld [smem:$0x3FAF]  }
0x2e: {  	s3 =	simm.s32 @!p0 $0x1082;
	s9 =	sld [smem:$0x3FB0]  }
0x2f: {  	lr =	sadd.s32 s0, s3;
	s0 =	sld [smem:$0x3FA7]  }
0x30: {  	s3 =	sld [smem:$0x3FAA]  }
0x31: {  	[smem:$0x3FB3] =	sst s10  }
0x32: {  	s10 =	sld [smem:$0x3FB1];
	_ =	sdelay $0x3  }
0x33: {  	p0 =	seq.s32 s10, $0x1;
	s10 =	sld [smem:$0x3FB3];
	_ =	sdelay $0x3  }
0x34: {  	[smem:$0x3FB3] =	sst s10  }
0x35: {  	s10 =	sld [smem:$0x3FB2];
	_ =	sdelay $0x3  }
0x36: {  	p1 =	seq.s32 s10, $0x1;
	s10 =	sld [smem:$0x3FB3];
	_ =	sdelay $0x3  }
0x37: {  	[smem:$0x3FB3] =	sst s10  }
0x38: {  	s10 =	sld [smem:$0x3FB4]  }
0x39: {  	_ = 	snop;
	(pc) =	sbr.ind lr, $3  }
0x3a: {  	_ = 	snop  }
0x3b: {  	_ = 	snop  }
0x3c: {  	p2 =	seq.s32 s10, $0x1;
	s10 =	sld [smem:$0x3FB3]  }
0x3d: {  	_ =	shalt  }
0x3e: {  	_ =	shalt  }
0x3f: {  	_ =	shalt  }
0x40: {  	_ =	shalt  }
0x41: {  	_ =	shalt  }
0x42: {  	_ =	shalt  }
0x43: {  	_ =	shalt  }
0x44: {  	_ =	shalt  }
0x45: {  	_ =	shalt  }
0x46: {  	_ =	shalt  }
0x47: {  	_ =	shalt  }
0x48: {  	_ =	shalt  }
0x49: {  	_ =	shalt  }
0x4a: {  	_ =	shalt  }
0x4b: {  	_ =	shalt  }
0x4c: {  	_ =	shalt  }
0x4d: {  	_ =	shalt  }
0x4e: {  	_ =	shalt  }
0x4f: {  	_ =	shalt  }
0x50: {  	_ =	shalt  }
0x51: {  	_ =	shalt  }
0x52: {  	_ =	shalt  }
0x53: {  	_ =	shalt  }
0x54: {  	_ =	shalt  }
0x55: {  	_ =	shalt  }
0x56: {  	_ =	shalt  }
0x57: {  	_ =	shalt  }
0x58: {  	_ =	shalt  }
0x59: {  	_ =	shalt  }
0x5a: {  	_ =	shalt  }
0x5b: {  	_ =	shalt  }
0x5c: {  	_ =	shalt  }
0x5d: {  	_ =	shalt  }
0x5e: {  	_ =	shalt  }
0x5f: {  	_ =	shalt  }
0x60: {  	_ =	shalt  }
0x61: {  	_ =	shalt  }
0x62: {  	_ =	shalt  }
0x63: {  	_ =	shalt  }
0x64: {  	_ =	shalt  }
0x65: {  	_ =	shalt  }
0x66: {  	_ =	shalt  }
0x67: {  	_ =	shalt  }
0x68: {  	_ =	shalt  }
0x69: {  	_ =	shalt  }
0x6a: {  	_ =	shalt  }
0x6b: {  	_ =	shalt  }
0x6c: {  	_ =	shalt  }
0x6d: {  	_ =	shalt  }
0x6e: {  	_ =	shalt  }
0x6f: {  	_ =	shalt  }
0x70: {  	_ =	shalt  }
0x71: {  	_ =	shalt  }
0x72: {  	_ =	shalt  }
0x73: {  	_ =	shalt  }
0x74: {  	_ =	shalt  }
0x75: {  	_ =	shalt  }
0x76: {  	_ =	shalt  }
0x77: {  	_ =	shalt  }
0x78: {  	_ =	shalt  }
0x79: {  	_ =	shalt  }
0x7a: {  	_ =	shalt  }
0x7b: {  	_ =	shalt  }
0x7c: {  	_ =	shalt  }
0x7d: {  	_ =	shalt  }
0x7e: {  	_ =	shalt  }
0x7f: {  	_ =	shalt  }
0x80: {  	_ =	shalt  }
0x81: {  	_ =	shalt  }
0x82: {  	_ =	shalt  }
0x83: {  	_ =	shalt  }
0x84: {  	_ =	shalt  }
0x85: {  	_ =	shalt  }
0x86: {  	_ =	shalt  }
0x87: {  	_ =	shalt  }
.Lfunc_end0:
.L_simem_size_0:
called_computation_lowered:
.L_overlay_start_0:
0x88: {  	s2 =	sld [smem:$0x3FD9]  }
0x89: {  	s3 =	sld [smem:$0x3FFE];
	_ =	sdelay $0x1  }
0x8a: {  	s1 =	srdreg.scid  }
0x8b: {  	s0 =	sand.u32 $0x1, s1  }
0x8c: {  	s17 =	sshll.u32 s0, $0xA;
	s2 =	sadd.s32 s3, s2  }
0x8d: {  	s2 =	sadd.s32 s2, s17  }
0x8e: {  	[smem:$0x3FBF] =	sst s2  }
0x8f: {  	_ = 	snop  }
0x90: {  	s2 =	sld [smem:$0x3FD0];
	(tm) =	ssettm $0x1  }
0x91: {  	s18 =	sld [smem:$0x3FFB];
	_ =	sdelay $0x3  }
0x92: {  	_ =	strace s18  }
0x93: {  	s3 =	sld [smem:$0x3FFC];
	_ =	sdelay $0x3  }
0x94: {  	_ =	strace s3  }
0x95: {  	s3 =	sld [smem:$0x3FFD];
	_ =	sdelay $0x3  }
0x96: {  	_ =	strace s3  }
0x97: {  	_ =	strace $0x8FFFFFFF  }
0x98: {  	s19 =	sld [smem:$0x3FDB];
	_ =	sdelay $0x1  }
0x99: {  	s4 =	simm.s32 $_scs_section_size  }
0x9a: {  	s5 =	simm.s32 $_size__tile_overlayer_lowered;
	s6 =	simm.s32 $_tile_overlayer_lowered  }
0x9b: {  	s22 =	simm.s32 $0x1BFF;
	s21 =	sshll.u32 s6, $0x1;
	s3 =	sadd.s32 s4, s19  }
0x9c: {  	s7 =	simm.s32 $0x0;
	s20 =	sshll.u32 s5, $0x1;
	s5 =	sadd.s32 s21, s3  }
0x9d: {  	[timem:s7], [sflag:s22] =	dma.local [hbm:s5], s20  }
0x9e: {  	_ =	swait.ge [sflag:s22], s20  }
0x9f: {  	s4 =	ssub.s32 $0x0, s20;
	[sflag:s22] =	ssyncset.done $0x0  }
0xa0: {  	[sflag:s22] =	ssyncadd.s32 s4;
	_ =	sdelay $0x1  }
0xa1: {  	s23 =	simm.s32 $0x1B8B  }
0xa2: {  	_ =	swait.ge [sflag:s23], $0x1  }
0xa3: {  	[sflag:s23] =	ssyncset.done $0x0  }
0xa4: {  	s25 =	simm.s32 $0x1B8E;
	s24 =	sld [smem:$0x3FFE];
	[sflag:s23] =	ssyncadd.s32 $0xFFFFFFFF  }
0xa5: {  	s26 =	simm.s32 $execute0_lowered;
	[smem:$0x3FD2] =	sst s25  }
0xa6: {  	s5 =	sshll.u32 s26, $0x1;
	_ =	strace $0x80000046;
	[dreg:$0x1] =	wrdreg $0xFFFFFFFF  }
0xa7: {  	s28 =	simm.s32 $_size_execute0_lowered;
	s3 =	sadd.s32 s3, s5;
	[dreg:$0x0] =	wrdreg $0x0  }
0xa8: {  	s5 =	sshll.u32 s28, $0x1;
	[dreg:$0x2] =	wrdreg s3  }
0xa9: {  	[dreg:$0x3] =	wrdreg s5  }
0xaa: {  	[dreg:$0x4] =	wrdreg $0xC0  }
0xab: {  	_ =	task [dreg:s7], $0x5FFFF  }
0xac: {  	[dreg:$0x1] =	wrdreg $0xFFFFFFFF  }
0xad: {  	[dreg:$0x0] =	wrdreg $0x60  }
0xae: {  	[dreg:$0x2] =	wrdreg s24  }
0xaf: {  	[dreg:$0x3] =	wrdreg s2  }
0xb0: {  	[dreg:$0x4] =	wrdreg $0x9  }
0xb1: {  	_ =	task.clear_ibuf [dreg:s7], $0x5FFFF;
	_ =	strace $0x90000046  }
0xb2: {  	s29 =	simm.s32 $0x9;
	_ =	strace $0x80000048  }
0xb3: {  	_ =	swait.ge [sflag:s29], $0x1  }
0xb4: {  	[sflag:s29] =	ssyncadd.s32 $0xFFFFFFFF  }
0xb5: {  	_ =	strace $0x90000048  }
0xb6: {  	_ =	sfence  }
0xb7: {  	s30 =	sld [smem:$0x0];
	_ =	sdelay $0x2  }
0xb8: {  	s31 =	sshll.u32 s1, $0xD;
	s1 =	sshrl.u32 s1, $0x2  }
0xb9: {  	s3 =	sand.u32 $0x4000, s31;
	s1 =	sadd.s32 s1, s30  }
0xba: {  	s0 =	sor.u32 s3, s0;
	s1 =	sshll.u32 s1, $0x11  }
0xbb: {  	s0 =	sor.u32 s1, s0  }
0xbc: {  	s0 =	sadd.s32 $0x8F2B, s0  }
0xbd: {  	[sflag:s0] =	ssyncadd.remote.s32 $0x1  }
0xbe: {  	_ =	sfence.sel $0xFFFF  }
0xbf: {  	[dreg:$0x0] =	wrdreg $0xFFFFFFFF;
	(pc) =	sbr.abs _section_cstart, $3  }
0xc0: {  	[dreg:$0x1] =	wrdreg $0xFFFFFFFF  }
0xc1: {  	_ =	task.clear_ibuf [dreg:s7], $0x2FFFF;
	_ =	strace $0x9FFFFFFF  }
0xc2: {  	(tm) =	ssettm $0x7FFFFFFF  }
0xc3: {  	_ =	shalt  }
tec
execute0_lowered:
.L_overlay_start_1:
0x0: {  	(tag) =	ssettag $0x1  }
0x1: {  	s0 =	srdreg.scid  }
0x2: {  	s4 =	rddreg [dreg:$0x0];
	s3 =	sand.u32 $0x1, s0  }
0x3: {  	s5 =	rddreg [dreg:$0x1];
	s0 =	stileid.u32;
	s1 =	sshll.u32 s3, $0x4  }
0x4: {  	s2 =	simm.s32 $0x0;
	s8 =	simm.s32 $0x2;
	s6 =	sor.u32 s0, s1  }
0x5: {  	s9 =	simm.s32 $0x0;
	[smem:$0x7FF] =	sst s2;
	s7 =	smul.u32 $0x500, s6  }
0x6: {  	s3 =	ssub.s32 $0x2, s3;
	s1 =	rddreg [dreg:$0x2];
	s6 =	smul.u32 $0x4F0, s6  }
0x7: {  	s31 =	sshrl.u32 s3, $0x1;
	_ =	strace $0x80000047;
	s4 =	sadd.s32 s7, s4  }
0x8: {  	s7 =	ssub.s32 s3, s31;
	s3 =	sadd.s32 $0x2200, s4;
	s4 =	sadd.s32 s5, s6  }
0x9: {  	v0 =	vimm.f32 $0.0e+00;
	v1 =	vimm.f32 $1.000000000e+00;
	s5 =	smax.u32 s7, $0x1;
	s6 =	simm.s32 $0x1;
	s7 =	simm.s32 $0x2800  }
.LBB2_1:
0xa: {  	[tilespmem:s2], [sflag:$0x1] =	stream.linear.gather [hbm4b:s3+s2], $0x2800, $0x38;
	[tilespmem:$0x4F80] =	vst v63  }
0xb: {  	s10 =	simm.s32 $0x40;
	s11 =	simm.s32 $0x0  }
.LBB2_2:
0xc: {  	p0 =	sne.s32 s10, $0x9DC0;
	[tilespmem:s11+$0x2800] =	vst v0;
	s11 =	smov.u32 s10;
	s10 =	sadd.s32 $0x40, s10  }
.Ltmp0:
0xd: {  	(pc) =	sbr.rel @p0 .LBB2_2-.Ltmp0, $2  }
0xe: {  	_ =	sdelay $0x2  }
0xf: {  	s11 =	sshra.s32 s11, $0x2  }
0x10: {  	[tilespmem:s11+$0x2800] =	vst v0  }
0x11: {  	_ =	swait.ge [sflag:s6], $0x2800  }
0x12: {  	[sflag:s6] =	ssyncset.done $0x0  }
0x13: {  	s10 =	simm.s32 $0x1C0;
	[sflag:s6] =	ssyncadd.s32 $0xFFFFD800  }
.LBB2_4:
0x14: {  	s11 =	sshra.s32 s10, $0x2  }
0x15: {  	v2 =	vld [tilespmem:s11+$0xFFFFFF90];
	_ =	sdelay $0x4  }
0x16: {  	v2 =	vshra.s32 v2, $0xE;
	_ =	sdelay $0x4  }
0x17: {  	[tilespmem:v2+s7+$0x0] =	vst.idx.add.f32.msk $0xffff, v1  }
0x18: {  	v2 =	vld [tilespmem:s11+$0xFFFFFFA0];
	_ =	sdelay $0x4  }
0x19: {  	v2 =	vshra.s32 v2, $0xE;
	_ =	sdelay $0x4  }
0x1a: {  	[tilespmem:v2+s7+$0x0] =	vst.idx.add.f32.msk $0xffff, v1  }
0x1b: {  	v2 =	vld [tilespmem:s11+$0xFFFFFFB0];
	_ =	sdelay $0x4  }
0x1c: {  	v2 =	vshra.s32 v2, $0xE;
	_ =	sdelay $0x4  }
0x1d: {  	[tilespmem:v2+s7+$0x0] =	vst.idx.add.f32.msk $0xffff, v1  }
0x1e: {  	v2 =	vld [tilespmem:s11+$0xFFFFFFC0];
	_ =	sdelay $0x4  }
0x1f: {  	v2 =	vshra.s32 v2, $0xE;
	_ =	sdelay $0x4  }
0x20: {  	[tilespmem:v2+s7+$0x0] =	vst.idx.add.f32.msk $0xffff, v1  }
0x21: {  	v2 =	vld [tilespmem:s11+$0xFFFFFFD0];
	_ =	sdelay $0x4  }
0x22: {  	v2 =	vshra.s32 v2, $0xE;
	_ =	sdelay $0x4  }
0x23: {  	[tilespmem:v2+s7+$0x0] =	vst.idx.add.f32.msk $0xffff, v1  }
0x24: {  	v2 =	vld [tilespmem:s11+$0xFFFFFFE0];
	_ =	sdelay $0x4  }
0x25: {  	v2 =	vshra.s32 v2, $0xE;
	_ =	sdelay $0x4  }
0x26: {  	[tilespmem:v2+s7+$0x0] =	vst.idx.add.f32.msk $0xffff, v1  }
0x27: {  	v2 =	vld [tilespmem:s11+$0xFFFFFFF0];
	_ =	sdelay $0x4  }
0x28: {  	v2 =	vshra.s32 v2, $0xE;
	_ =	sdelay $0x4  }
0x29: {  	[tilespmem:v2+s7+$0x0] =	vst.idx.add.f32.msk $0xffff, v1  }
0x2a: {  	v2 =	vld [tilespmem:s11+$0x0];
	_ =	sdelay $0x4  }
0x2b: {  	p0 =	sne.s32 s10, $0x9FC0;
	v2 =	vshra.s32 v2, $0xE  }
.Ltmp1:
0x2c: {  	_ = 	snop;
	(pc) =	sbr.rel @p0 .LBB2_4-.Ltmp1, $2  }
0x2d: {  	_ =	sdelay $0x2  }
0x2e: {  	s10 =	sadd.s32 $0x200, s10;
	[tilespmem:v2+s7+$0x0] =	vst.idx.add.f32.msk $0xffff, v1  }
0x2f: {  	s9 =	sadd.s32 $0x1, s9  }
0x30: {  	p0 =	sne.s32 s9, s5  }
.Ltmp2:
0x31: {  	_ = 	snop;
	(pc) =	sbr.rel @p0 .LBB2_1-.Ltmp2, $4  }
0x32: {  	[hbm4b:s4+s2] =	stream.linear.scatter [tilespmem:s7], [sflag:$0x2], $0x2780, $0x38;
	[tilespmem:$0x4F80] =	vst v63  }
0x33: {  	_ =	swait.ge [sflag:s8], $0x2780  }
0x34: {  	[sflag:s8] =	ssyncset.done $0x0  }
0x35: {  	[sflag:s8] =	ssyncadd.s32 $0xFFFFD880  }
0x36: {  	_ =	sfence.sel $0x180000  }
0x37: {  	[bflag:$0x0] =	sbarrier.arrive $0xFFFF  }
0x38: {  	p0 =	sne.s32 s0, $0x0;
	_ =	strace $0x90000047  }
0x39: {  	s0 =	sadd.s32 @!p0 $0x100000, s1;
	[bflag:$0x2] =	sbarrier.arrive $0xFFFF  }
0x3a: {  	[sflag:s0] =	ssyncadd.tile.s32 @!p0 $0x1;
	_ =	shalt  }
.Lfunc_end2:
_tile_overlayer_lowered:
.L_overlay_start_2:
0x3b: {  	(tag) =	ssettag $0x2  }
0x3c: {  	s0 =	rddreg [dreg:$0x0];
	s2 =	stileid.u32  }
0x3d: {  	s1 =	rddreg [dreg:$0x1];
	p0 =	sne.s32 s2, $0x0  }
0x3e: {  	s3 =	rddreg [dreg:$0x2];
	[bflag:$0x3] =	sbarrier.arrive $0xFFFF;
	s2 =	simm.s32 @!p0 $0x1C02  }
0x3f: {  	[timem:s3], [sflag:s2] =	dma.local @!p0 [hbm:s0], s1  }
0x40: {  	s0 =	simm.s32 @!p0 $0x2  }
0x41: {  	_ =	swait.ge @!p0 [sflag:s0], s1  }
0x42: {  	s1 =	ssub.s32 @!p0 $0x0, s1;
	[sflag:s0] =	ssyncset.done @!p0 $0x0  }
0x43: {  	[sflag:s0] =	ssyncadd.s32 @!p0 s1  }
0x44: {  	[bflag:$0x3] =	sbarrier.arrive $0xFFFF  }
0x45: {  	_ =	shalt  }

</sc_bundles>
